<compile_context>
chip_gen: v7x
topology: tpu7x:2x2x1
jax: 0.10.2.dev20260603
libtpu: 0.0.44.dev20260713+nightly
codegen_flags: <defaults>
</compile_context>

<pallas_src>
import functools

import numpy as np
import jax
import jax.numpy as jnp
from jax import lax
from jax.experimental import pallas as pl
from jax.experimental.pallas import tpu as pltpu
from jax.experimental.pallas import tpu_sc as plsc


def _positional_table(T, E):
    pos = np.arange(T, dtype=np.float32)[:, None]
    i = np.arange(E, dtype=np.float32)[None, :]
    angles = pos / np.power(10000.0, 2.0 * i / E)
    table = np.array(angles, dtype=np.float32)
    table[:, 0::2] = np.sin(table[:, 0::2])
    table[:, 1::2] = np.cos(table[:, 1::2])
    return table


def kernel(x):
    B, T, E = x.shape
    TE = T * E
    tab = _positional_table(T, E).reshape(TE)
    tab_splat = jnp.asarray(np.broadcast_to(tab[:, None], (TE, 128)).copy())
    xt = x.reshape(B, TE).T

    info = plsc.get_sparse_core_info()
    NW = info.num_cores * info.num_subcores
    rows_per_w = TE // NW
    GR, GC = 8, 2048
    col_halves = B // GC
    n_chunks = (rows_per_w // GR) * col_halves
    n_pairs = n_chunks // 2

    mesh = plsc.VectorSubcoreMesh(core_axis_name="c", subcore_axis_name="s")

    @functools.partial(
        pl.kernel,
        out_type=jax.ShapeDtypeStruct((TE, B), jnp.float32),
        mesh=mesh,
        scratch_types=[
            pltpu.VMEM((GR, GC), jnp.float32),
            pltpu.VMEM((GR, GC), jnp.float32),
            pltpu.VMEM((GR, GC), jnp.float32),
            pltpu.VMEM((GR, GC), jnp.float32),
            pltpu.VMEM((rows_per_w, 128), jnp.float32),
            pltpu.SemaphoreType.DMA,
            pltpu.SemaphoreType.DMA,
            pltpu.SemaphoreType.DMA,
            pltpu.SemaphoreType.DMA,
        ],
    )
    def sc_add(x_hbm, tab_hbm, out_hbm, in0, in1, out0, out1, tabs,
               si0, si1, so0, so1):
        cid = lax.axis_index("c")
        sid = lax.axis_index("s")
        wid = sid * info.num_cores + cid
        row0 = wid * rows_per_w
        ins, outs, sis, sos = (in0, in1), (out0, out1), (si0, si1), (so0, so1)
        pltpu.sync_copy(tab_hbm.at[pl.ds(row0, rows_per_w)], tabs)

        def src(i):
            band = i // col_halves
            colh = i % col_halves
            return (pl.ds(row0 + band * GR, GR), pl.ds(colh * GC, GC))

        for b in range(2):
            r, c = src(b)
            pltpu.async_copy(x_hbm.at[r, c], ins[b], sis[b])

        def pair(p, carry):
            for b in range(2):
                i = 2 * p + b
                r, c = src(i)
                pltpu.make_async_copy(x_hbm.at[r, c], ins[b], sis[b]).wait()

                @pl.when(p > 0)
                def _():
                    r2, c2 = src(i - 2)
                    pltpu.make_async_copy(
                        outs[b], out_hbm.at[r2, c2], sos[b]).wait()

                lrow = (i // col_halves) * GR
                for rr in range(GR):
                    a = tabs[lrow + rr, pl.ds(0, 16)]

                    @plsc.parallel_loop(0, GC, step=16, unroll=4)
                    def _(o):
                        outs[b][rr, pl.ds(o, 16)] = (
                            ins[b][rr, pl.ds(o, 16)] + a)

                @pl.when(i + 2 < n_chunks)
                def _():
                    r3, c3 = src(i + 2)
                    pltpu.async_copy(x_hbm.at[r3, c3], ins[b], sis[b])

                pltpu.async_copy(outs[b], out_hbm.at[r, c], sos[b])
            return carry

        lax.fori_loop(0, n_pairs, pair, 0)

        for b in range(2):
            r, c = src(n_chunks - 2 + b)
            pltpu.make_async_copy(outs[b], out_hbm.at[r, c], sos[b]).wait()

    out = sc_add(xt, tab_splat)
    return out.T.reshape(B, T, E)

# --- scband reference (transcript-rebuilt; emitter-appended) ---
"""Pipeline reference for scband-positional-encoding-22462678958635 (READ-ONLY COPY).

The authoritative reference and input builder live on the scoring server;
editing this copy changes nothing except your own understanding.
"""

import jax, jax.numpy as jnp
import numpy as np


def _make_positional_table(T, E):
    position_enc = np.array(
        [[pos / np.power(10000, 2.0 * i / E) for i in range(E)] for pos in range(T)],
        dtype=np.float32,
    )
    position_enc[:, 0::2] = np.sin(position_enc[:, 0::2])
    position_enc[:, 1::2] = np.cos(position_enc[:, 1::2])
    return position_enc


def setup_inputs(seed: int = 0) -> dict:
    key = jax.random.key(seed)
    x = jax.random.normal(key, (4096, 200, 64), dtype=jnp.float32)
    return {"x": x}


def reference(x):
    B, T, E = x.shape
    # position indices tiled over batch, as in the original tf.tile(tf.range(T))
    position_ind = jnp.tile(jnp.arange(T, dtype=jnp.int32)[None, :], (B, 1))
    lookup_table = jnp.asarray(_make_positional_table(T, E))
    # embedding lookup: gather rows of the positional table
    outputs = jnp.take(lookup_table, position_ind, axis=0)
    return outputs + x

if __name__ == "__main__":
    import jax
    _d = setup_inputs()
    print(jax.jit(kernel)(*tuple(_d.values())))

</pallas_src>

<mosaic_0001>
#map = affine_map<(d0, d1) -> (0, 0)>
module attributes {stable_mosaic.version = 14 : i64} {
  func.func @sc_add(%arg0: i32, %arg1: i32, %arg2: memref<12800x4096xf32, #tpu.memory_space<hbm>>, %arg3: memref<12800x128xf32, #tpu.memory_space<hbm>>, %arg4: memref<12800x4096xf32, #tpu.memory_space<hbm>>, %arg5: memref<8x2048xf32, #tpu.memory_space<vmem>>, %arg6: memref<8x2048xf32, #tpu.memory_space<vmem>>, %arg7: memref<8x2048xf32, #tpu.memory_space<vmem>>, %arg8: memref<8x2048xf32, #tpu.memory_space<vmem>>, %arg9: memref<400x128xf32, #tpu.memory_space<vmem>>, %arg10: memref<!tpu.dma_semaphore, #tpu.memory_space<semaphore_mem>>, %arg11: memref<!tpu.dma_semaphore, #tpu.memory_space<semaphore_mem>>, %arg12: memref<!tpu.dma_semaphore, #tpu.memory_space<semaphore_mem>>, %arg13: memref<!tpu.dma_semaphore, #tpu.memory_space<semaphore_mem>>) attributes {dimension_semantics = [#tpu.dimension_semantics<core_parallel>, #tpu.dimension_semantics<subcore_parallel>], iteration_bounds = array<i64: 2, 16>, scalar_prefetch = 0 : i64, scratch_operands = 9 : i64, tpu.core_type = #tpu.core_type<sc_vector_subcore>, window_params = [{transform_indices = #map}, {transform_indices = #map}, {transform_indices = #map}]} {
    %mul3A = arith.constant 2 : i32
    %mul3A_0 = arith.muli %arg1, %mul3A : i32
    %add3A = arith.addi %mul3A_0, %arg0 : i32
    %mul3A_1 = arith.constant 400 : i32
    %mul3A_2 = arith.muli %add3A, %mul3A_1 : i32
    "tpu.region"() ({
      %run_scoped3A = tpu.sem_alloc : memref<!tpu.dma_semaphore, #tpu.memory_space<semaphore_mem>>
      %dma_start3A_30 = arith.constant 0 : i32
      %dma_start3A_31 = tpu.memref_slice %arg3[%mul3A_2, %dma_start3A_30] : memref<12800x128xf32, #tpu.memory_space<hbm>> -> memref<400x128xf32, #tpu.memory_space<hbm>>
      %dma_start3A_32 = arith.constant 0 : i32
      %dma_start3A_33 = tpu.memref_slice %arg3[%mul3A_2, %dma_start3A_32] : memref<12800x128xf32, #tpu.memory_space<hbm>> -> memref<400x128xf32, #tpu.memory_space<hbm>>
      tpu.enqueue_dma source(%dma_start3A_33 : memref<400x128xf32, #tpu.memory_space<hbm>>) target(%arg9 : memref<400x128xf32, #tpu.memory_space<vmem>>) target_semaphore(%run_scoped3A : memref<!tpu.dma_semaphore, #tpu.memory_space<semaphore_mem>>)
      %dma_wait3A_34 = arith.constant 0 : i32
      %dma_wait3A_35 = tpu.memref_slice %arg3[%mul3A_2, %dma_wait3A_34] : memref<12800x128xf32, #tpu.memory_space<hbm>> -> memref<400x128xf32, #tpu.memory_space<hbm>>
      %dma_wait3A_36 = arith.constant 0 : i32
      %dma_wait3A_37 = tpu.memref_slice %arg3[%mul3A_2, %dma_wait3A_36] : memref<12800x128xf32, #tpu.memory_space<hbm>> -> memref<400x128xf32, #tpu.memory_space<hbm>>
      tpu.wait_dma2 semaphore(%run_scoped3A : memref<!tpu.dma_semaphore, #tpu.memory_space<semaphore_mem>>) src(%dma_wait3A_37 : memref<400x128xf32, #tpu.memory_space<hbm>>) dst(%arg9 : memref<400x128xf32, #tpu.memory_space<vmem>>)
      tpu.yield
    }) : () -> ()
    %add3A_3 = arith.constant 0 : i32
    %add3A_4 = arith.addi %mul3A_2, %add3A_3 : i32
    %dma_start3A = arith.constant 0 : i32
    %dma_start3A_5 = tpu.memref_slice %arg2[%add3A_4, %dma_start3A] : memref<12800x4096xf32, #tpu.memory_space<hbm>> -> memref<8x2048xf32, #tpu.memory_space<hbm>>
    %dma_start3A_6 = arith.constant 0 : i32
    %dma_start3A_7 = tpu.memref_slice %arg2[%add3A_4, %dma_start3A_6] : memref<12800x4096xf32, #tpu.memory_space<hbm>> -> memref<8x2048xf32, #tpu.memory_space<hbm>>
    tpu.enqueue_dma source(%dma_start3A_7 : memref<8x2048xf32, #tpu.memory_space<hbm>>) target(%arg5 : memref<8x2048xf32, #tpu.memory_space<vmem>>) target_semaphore(%arg10 : memref<!tpu.dma_semaphore, #tpu.memory_space<semaphore_mem>>)
    %add3A_8 = arith.constant 0 : i32
    %add3A_9 = arith.addi %mul3A_2, %add3A_8 : i32
    %dma_start3A_10 = arith.constant 2048 : i32
    %dma_start3A_11 = tpu.memref_slice %arg2[%add3A_9, %dma_start3A_10] : memref<12800x4096xf32, #tpu.memory_space<hbm>> -> memref<8x2048xf32, #tpu.memory_space<hbm>>
    %dma_start3A_12 = arith.constant 2048 : i32
    %dma_start3A_13 = tpu.memref_slice %arg2[%add3A_9, %dma_start3A_12] : memref<12800x4096xf32, #tpu.memory_space<hbm>> -> memref<8x2048xf32, #tpu.memory_space<hbm>>
    tpu.enqueue_dma source(%dma_start3A_13 : memref<8x2048xf32, #tpu.memory_space<hbm>>) target(%arg6 : memref<8x2048xf32, #tpu.memory_space<vmem>>) target_semaphore(%arg11 : memref<!tpu.dma_semaphore, #tpu.memory_space<semaphore_mem>>)
    %scan3A = arith.constant 0 : i32
    %scan3A_14 = arith.constant 0 : i32
    %scan3A_15 = arith.constant 50 : i32
    %scan3A_16 = arith.addi %scan3A_14, %scan3A_15 : i32
    %scan3A_17 = arith.constant 1 : i32
    scf.for %scan3A_30 = %scan3A_14 to %scan3A_16 step %scan3A_17  : i32 {
      %mul3A_31 = arith.constant 2 : i32
      %mul3A_32 = arith.muli %mul3A_31, %scan3A_30 : i32
      %add3A_33 = arith.constant 0 : i32
      %add3A_34 = arith.addi %mul3A_32, %add3A_33 : i32
      %jit3A = arith.constant 2 : i32
      %div3A = arith.divsi %add3A_34, %jit3A : i32
      %sign3A = arith.constant 0 : i32
      %sign3A_35 = arith.cmpi sgt, %add3A_34, %sign3A : i32
      %sign3A_36 = arith.extui %sign3A_35 : i1 to i32
      %sign3A_37 = arith.constant 0 : i32
      %sign3A_38 = arith.cmpi slt, %add3A_34, %sign3A_37 : i32
      %sign3A_39 = arith.extui %sign3A_38 : i1 to i32
      %sign3A_40 = arith.subi %sign3A_36, %sign3A_39 : i32
      %sign3A_41 = arith.constant 0 : i32
      %sign3A_42 = arith.cmpi sgt, %jit3A, %sign3A_41 : i32
      %sign3A_43 = arith.extui %sign3A_42 : i1 to i32
      %sign3A_44 = arith.constant 0 : i32
      %sign3A_45 = arith.cmpi slt, %jit3A, %sign3A_44 : i32
      %sign3A_46 = arith.extui %sign3A_45 : i1 to i32
      %sign3A_47 = arith.subi %sign3A_43, %sign3A_46 : i32
      %ne3A = arith.cmpi ne, %sign3A_40, %sign3A_47 : i32
      %rem3A = arith.remsi %add3A_34, %jit3A : i32
      %ne3A_48 = arith.constant 0 : i32
      %ne3A_49 = arith.cmpi ne, %rem3A, %ne3A_48 : i32
      %and3A = arith.andi %ne3A, %ne3A_49 : i1
      %sub3A = arith.constant 1 : i32
      %sub3A_50 = arith.subi %div3A, %sub3A : i32
      %select_n3A = arith.select %and3A, %sub3A_50, %div3A : i32
      %jit3A_51 = arith.constant 2 : i32
      %eq3A = arith.constant 0 : i32
      %eq3A_52 = arith.cmpi eq, %jit3A_51, %eq3A : i32
      %jit3A_53 = arith.constant 1 : i32
      %select_n3A_54 = arith.select %eq3A_52, %jit3A_53, %jit3A_51 : i32
      %rem3A_55 = arith.remsi %add3A_34, %select_n3A_54 : i32
      %ne3A_56 = arith.constant 0 : i32
      %ne3A_57 = arith.cmpi ne, %rem3A_55, %ne3A_56 : i32
      %lt3A = arith.constant 0 : i32
      %lt3A_58 = arith.cmpi slt, %rem3A_55, %lt3A : i32
      %lt3A_59 = arith.constant 0 : i32
      %lt3A_60 = arith.cmpi slt, %select_n3A_54, %lt3A_59 : i32
      %ne3A_61 = arith.xori %lt3A_58, %lt3A_60 : i1
      %and3A_62 = arith.andi %ne3A_61, %ne3A_57 : i1
      %add3A_63 = arith.addi %rem3A_55, %select_n3A_54 : i32
      %select_n3A_64 = arith.select %and3A_62, %add3A_63, %rem3A_55 : i32
      %mul3A_65 = arith.constant 8 : i32
      %mul3A_66 = arith.muli %select_n3A, %mul3A_65 : i32
      %add3A_67 = arith.addi %mul3A_2, %mul3A_66 : i32
      %mul3A_68 = arith.constant 2048 : i32
      %mul3A_69 = arith.muli %select_n3A_64, %mul3A_68 : i32
      %dma_wait3A_70 = tpu.memref_slice %arg2[%add3A_67, %mul3A_69] : memref<12800x4096xf32, #tpu.memory_space<hbm>> -> memref<8x2048xf32, #tpu.memory_space<hbm>>
      %dma_wait3A_71 = tpu.memref_slice %arg2[%add3A_67, %mul3A_69] : memref<12800x4096xf32, #tpu.memory_space<hbm>> -> memref<8x2048xf32, #tpu.memory_space<hbm>>
      tpu.wait_dma2 semaphore(%arg10 : memref<!tpu.dma_semaphore, #tpu.memory_space<semaphore_mem>>) src(%dma_wait3A_71 : memref<8x2048xf32, #tpu.memory_space<hbm>>) dst(%arg5 : memref<8x2048xf32, #tpu.memory_space<vmem>>)
      %gt3A = arith.constant 0 : i32
      %gt3A_72 = arith.cmpi sgt, %scan3A_30, %gt3A : i32
      %convert_element_type3A = arith.extui %gt3A_72 : i1 to i32
      %cond3A = arith.constant 0 : i32
      %cond3A_73 = arith.cmpi ne, %convert_element_type3A, %cond3A : i32
      scf.if %cond3A_73 {
        %sub3A_342 = arith.constant 2 : i32
        %sub3A_343 = arith.subi %add3A_34, %sub3A_342 : i32
        %jit3A_344 = arith.constant 2 : i32
        %div3A_345 = arith.divsi %sub3A_343, %jit3A_344 : i32
        %sign3A_346 = arith.constant 0 : i32
        %sign3A_347 = arith.cmpi sgt, %sub3A_343, %sign3A_346 : i32
        %sign3A_348 = arith.extui %sign3A_347 : i1 to i32
        %sign3A_349 = arith.constant 0 : i32
        %sign3A_350 = arith.cmpi slt, %sub3A_343, %sign3A_349 : i32
        %sign3A_351 = arith.extui %sign3A_350 : i1 to i32
        %sign3A_352 = arith.subi %sign3A_348, %sign3A_351 : i32
        %sign3A_353 = arith.constant 0 : i32
        %sign3A_354 = arith.cmpi sgt, %jit3A_344, %sign3A_353 : i32
        %sign3A_355 = arith.extui %sign3A_354 : i1 to i32
        %sign3A_356 = arith.constant 0 : i32
        %sign3A_357 = arith.cmpi slt, %jit3A_344, %sign3A_356 : i32
        %sign3A_358 = arith.extui %sign3A_357 : i1 to i32
        %sign3A_359 = arith.subi %sign3A_355, %sign3A_358 : i32
        %ne3A_360 = arith.cmpi ne, %sign3A_352, %sign3A_359 : i32
        %rem3A_361 = arith.remsi %sub3A_343, %jit3A_344 : i32
        %ne3A_362 = arith.constant 0 : i32
        %ne3A_363 = arith.cmpi ne, %rem3A_361, %ne3A_362 : i32
        %and3A_364 = arith.andi %ne3A_360, %ne3A_363 : i1
        %sub3A_365 = arith.constant 1 : i32
        %sub3A_366 = arith.subi %div3A_345, %sub3A_365 : i32
        %select_n3A_367 = arith.select %and3A_364, %sub3A_366, %div3A_345 : i32
        %jit3A_368 = arith.constant 2 : i32
        %eq3A_369 = arith.constant 0 : i32
        %eq3A_370 = arith.cmpi eq, %jit3A_368, %eq3A_369 : i32
        %jit3A_371 = arith.constant 1 : i32
        %select_n3A_372 = arith.select %eq3A_370, %jit3A_371, %jit3A_368 : i32
        %rem3A_373 = arith.remsi %sub3A_343, %select_n3A_372 : i32
        %ne3A_374 = arith.constant 0 : i32
        %ne3A_375 = arith.cmpi ne, %rem3A_373, %ne3A_374 : i32
        %lt3A_376 = arith.constant 0 : i32
        %lt3A_377 = arith.cmpi slt, %rem3A_373, %lt3A_376 : i32
        %lt3A_378 = arith.constant 0 : i32
        %lt3A_379 = arith.cmpi slt, %select_n3A_372, %lt3A_378 : i32
        %ne3A_380 = arith.xori %lt3A_377, %lt3A_379 : i1
        %and3A_381 = arith.andi %ne3A_380, %ne3A_375 : i1
        %add3A_382 = arith.addi %rem3A_373, %select_n3A_372 : i32
        %select_n3A_383 = arith.select %and3A_381, %add3A_382, %rem3A_373 : i32
        %mul3A_384 = arith.constant 8 : i32
        %mul3A_385 = arith.muli %select_n3A_367, %mul3A_384 : i32
        %add3A_386 = arith.addi %mul3A_2, %mul3A_385 : i32
        %mul3A_387 = arith.constant 2048 : i32
        %mul3A_388 = arith.muli %select_n3A_383, %mul3A_387 : i32
        %dma_wait3A_389 = tpu.memref_slice %arg4[%add3A_386, %mul3A_388] : memref<12800x4096xf32, #tpu.memory_space<hbm>> -> memref<8x2048xf32, #tpu.memory_space<hbm>>
        %dma_wait3A_390 = tpu.memref_slice %arg4[%add3A_386, %mul3A_388] : memref<12800x4096xf32, #tpu.memory_space<hbm>> -> memref<8x2048xf32, #tpu.memory_space<hbm>>
        tpu.wait_dma2 semaphore(%arg12 : memref<!tpu.dma_semaphore, #tpu.memory_space<semaphore_mem>>) src(%arg7 : memref<8x2048xf32, #tpu.memory_space<vmem>>) dst(%dma_wait3A_390 : memref<8x2048xf32, #tpu.memory_space<hbm>>)
      } else {
      }
      %jit3A_74 = arith.constant 2 : i32
      %div3A_75 = arith.divsi %add3A_34, %jit3A_74 : i32
      %sign3A_76 = arith.constant 0 : i32
      %sign3A_77 = arith.cmpi sgt, %add3A_34, %sign3A_76 : i32
      %sign3A_78 = arith.extui %sign3A_77 : i1 to i32
      %sign3A_79 = arith.constant 0 : i32
      %sign3A_80 = arith.cmpi slt, %add3A_34, %sign3A_79 : i32
      %sign3A_81 = arith.extui %sign3A_80 : i1 to i32
      %sign3A_82 = arith.subi %sign3A_78, %sign3A_81 : i32
      %sign3A_83 = arith.constant 0 : i32
      %sign3A_84 = arith.cmpi sgt, %jit3A_74, %sign3A_83 : i32
      %sign3A_85 = arith.extui %sign3A_84 : i1 to i32
      %sign3A_86 = arith.constant 0 : i32
      %sign3A_87 = arith.cmpi slt, %jit3A_74, %sign3A_86 : i32
      %sign3A_88 = arith.extui %sign3A_87 : i1 to i32
      %sign3A_89 = arith.subi %sign3A_85, %sign3A_88 : i32
      %ne3A_90 = arith.cmpi ne, %sign3A_82, %sign3A_89 : i32
      %rem3A_91 = arith.remsi %add3A_34, %jit3A_74 : i32
      %ne3A_92 = arith.constant 0 : i32
      %ne3A_93 = arith.cmpi ne, %rem3A_91, %ne3A_92 : i32
      %and3A_94 = arith.andi %ne3A_90, %ne3A_93 : i1
      %sub3A_95 = arith.constant 1 : i32
      %sub3A_96 = arith.subi %div3A_75, %sub3A_95 : i32
      %select_n3A_97 = arith.select %and3A_94, %sub3A_96, %div3A_75 : i32
      %mul3A_98 = arith.constant 8 : i32
      %mul3A_99 = arith.muli %select_n3A_97, %mul3A_98 : i32
      %add3A_100 = arith.constant 0 : i32
      %add3A_101 = arith.addi %mul3A_99, %add3A_100 : i32
      %get3A = arith.index_cast %add3A_101 : i32 to index
      %get3A_102 = arith.constant 0 : index
      %get3A_103 = tpu.vector_load %arg9[%get3A, %get3A_102] {strides = array<i32>} : memref<400x128xf32, #tpu.memory_space<vmem>>, vector<1x16xf32>,
      %get3A_104 = vector.shape_cast %get3A_103 : vector<1x16xf32> to vector<16xf32>
      %parallel_loop3A = arith.constant 0 : i32
      %parallel_loop3A_105 = arith.constant 2048 : i32
      %parallel_loop3A_106 = arith.constant 16 : i32
      scf.for %parallel_loop3A_342 = %parallel_loop3A to %parallel_loop3A_105 step %parallel_loop3A_106  : i32 {
        %parallel_loop3A_343 = arith.constant 0 : i32
        %parallel_loop3A_344 = arith.index_cast %parallel_loop3A_343 : i32 to index
        %parallel_loop3A_345 = arith.index_cast %parallel_loop3A_342 : i32 to index
        %parallel_loop3A_346 = tpu.vector_load %arg5[%parallel_loop3A_344, %parallel_loop3A_345] {strides = array<i32>} : memref<8x2048xf32, #tpu.memory_space<vmem>>, vector<1x16xf32>,
        %parallel_loop3A_347 = vector.shape_cast %parallel_loop3A_346 : vector<1x16xf32> to vector<16xf32>
        %parallel_loop3A_348 = arith.addf %parallel_loop3A_347, %get3A_104 : vector<16xf32>
        %parallel_loop3A_349 = arith.constant 0 : i32
        %parallel_loop3A_350 = arith.index_cast %parallel_loop3A_349 : i32 to index
        %parallel_loop3A_351 = arith.index_cast %parallel_loop3A_342 : i32 to index
        %parallel_loop3A_352 = tpu.vector_load %arg7[%parallel_loop3A_350, %parallel_loop3A_351] {strides = array<i32>} : memref<8x2048xf32, #tpu.memory_space<vmem>>, vector<1x16xf32>,
        %parallel_loop3A_353 = vector.shape_cast %parallel_loop3A_352 : vector<1x16xf32> to vector<16xf32>
        %parallel_loop3A_354 = vector.shape_cast %parallel_loop3A_348 : vector<16xf32> to vector<1x16xf32>
        tpu.vector_store %arg7[%parallel_loop3A_350, %parallel_loop3A_351], %parallel_loop3A_354 {strides = array<i32>} : memref<8x2048xf32, #tpu.memory_space<vmem>>, vector<1x16xf32>,
      } {sc.loop_unroll_factor = 4 : i64, sc.parallel_access}
      %add3A_107 = arith.constant 1 : i32
      %add3A_108 = arith.addi %mul3A_99, %add3A_107 : i32
      %get3A_109 = arith.index_cast %add3A_108 : i32 to index
      %get3A_110 = arith.constant 0 : index
      %get3A_111 = tpu.vector_load %arg9[%get3A_109, %get3A_110] {strides = array<i32>} : memref<400x128xf32, #tpu.memory_space<vmem>>, vector<1x16xf32>,
      %get3A_112 = vector.shape_cast %get3A_111 : vector<1x16xf32> to vector<16xf32>
      %parallel_loop3A_113 = arith.constant 0 : i32
      %parallel_loop3A_114 = arith.constant 2048 : i32
      %parallel_loop3A_115 = arith.constant 16 : i32
      scf.for %parallel_loop3A_342 = %parallel_loop3A_113 to %parallel_loop3A_114 step %parallel_loop3A_115  : i32 {
        %parallel_loop3A_343 = arith.constant 1 : i32
        %parallel_loop3A_344 = arith.index_cast %parallel_loop3A_343 : i32 to index
        %parallel_loop3A_345 = arith.index_cast %parallel_loop3A_342 : i32 to index
        %parallel_loop3A_346 = tpu.vector_load %arg5[%parallel_loop3A_344, %parallel_loop3A_345] {strides = array<i32>} : memref<8x2048xf32, #tpu.memory_space<vmem>>, vector<1x16xf32>,
        %parallel_loop3A_347 = vector.shape_cast %parallel_loop3A_346 : vector<1x16xf32> to vector<16xf32>
        %parallel_loop3A_348 = arith.addf %parallel_loop3A_347, %get3A_112 : vector<16xf32>
        %parallel_loop3A_349 = arith.constant 1 : i32
        %parallel_loop3A_350 = arith.index_cast %parallel_loop3A_349 : i32 to index
        %parallel_loop3A_351 = arith.index_cast %parallel_loop3A_342 : i32 to index
        %parallel_loop3A_352 = tpu.vector_load %arg7[%parallel_loop3A_350, %parallel_loop3A_351] {strides = array<i32>} : memref<8x2048xf32, #tpu.memory_space<vmem>>, vector<1x16xf32>,
        %parallel_loop3A_353 = vector.shape_cast %parallel_loop3A_352 : vector<1x16xf32> to vector<16xf32>
        %parallel_loop3A_354 = vector.shape_cast %parallel_loop3A_348 : vector<16xf32> to vector<1x16xf32>
        tpu.vector_store %arg7[%parallel_loop3A_350, %parallel_loop3A_351], %parallel_loop3A_354 {strides = array<i32>} : memref<8x2048xf32, #tpu.memory_space<vmem>>, vector<1x16xf32>,
      } {sc.loop_unroll_factor = 4 : i64, sc.parallel_access}
      %add3A_116 = arith.constant 2 : i32
      %add3A_117 = arith.addi %mul3A_99, %add3A_116 : i32
      %get3A_118 = arith.index_cast %add3A_117 : i32 to index
      %get3A_119 = arith.constant 0 : index
      %get3A_120 = tpu.vector_load %arg9[%get3A_118, %get3A_119] {strides = array<i32>} : memref<400x128xf32, #tpu.memory_space<vmem>>, vector<1x16xf32>,
      %get3A_121 = vector.shape_cast %get3A_120 : vector<1x16xf32> to vector<16xf32>
      %parallel_loop3A_122 = arith.constant 0 : i32
      %parallel_loop3A_123 = arith.constant 2048 : i32
      %parallel_loop3A_124 = arith.constant 16 : i32
      scf.for %parallel_loop3A_342 = %parallel_loop3A_122 to %parallel_loop3A_123 step %parallel_loop3A_124  : i32 {
        %parallel_loop3A_343 = arith.constant 2 : i32
        %parallel_loop3A_344 = arith.index_cast %parallel_loop3A_343 : i32 to index
        %parallel_loop3A_345 = arith.index_cast %parallel_loop3A_342 : i32 to index
        %parallel_loop3A_346 = tpu.vector_load %arg5[%parallel_loop3A_344, %parallel_loop3A_345] {strides = array<i32>} : memref<8x2048xf32, #tpu.memory_space<vmem>>, vector<1x16xf32>,
        %parallel_loop3A_347 = vector.shape_cast %parallel_loop3A_346 : vector<1x16xf32> to vector<16xf32>
        %parallel_loop3A_348 = arith.addf %parallel_loop3A_347, %get3A_121 : vector<16xf32>
        %parallel_loop3A_349 = arith.constant 2 : i32
        %parallel_loop3A_350 = arith.index_cast %parallel_loop3A_349 : i32 to index
        %parallel_loop3A_351 = arith.index_cast %parallel_loop3A_342 : i32 to index
        %parallel_loop3A_352 = tpu.vector_load %arg7[%parallel_loop3A_350, %parallel_loop3A_351] {strides = array<i32>} : memref<8x2048xf32, #tpu.memory_space<vmem>>, vector<1x16xf32>,
        %parallel_loop3A_353 = vector.shape_cast %parallel_loop3A_352 : vector<1x16xf32> to vector<16xf32>
        %parallel_loop3A_354 = vector.shape_cast %parallel_loop3A_348 : vector<16xf32> to vector<1x16xf32>
        tpu.vector_store %arg7[%parallel_loop3A_350, %parallel_loop3A_351], %parallel_loop3A_354 {strides = array<i32>} : memref<8x2048xf32, #tpu.memory_space<vmem>>, vector<1x16xf32>,
      } {sc.loop_unroll_factor = 4 : i64, sc.parallel_access}
      %add3A_125 = arith.constant 3 : i32
      %add3A_126 = arith.addi %mul3A_99, %add3A_125 : i32
      %get3A_127 = arith.index_cast %add3A_126 : i32 to index
      %get3A_128 = arith.constant 0 : index
      %get3A_129 = tpu.vector_load %arg9[%get3A_127, %get3A_128] {strides = array<i32>} : memref<400x128xf32, #tpu.memory_space<vmem>>, vector<1x16xf32>,
      %get3A_130 = vector.shape_cast %get3A_129 : vector<1x16xf32> to vector<16xf32>
      %parallel_loop3A_131 = arith.constant 0 : i32
      %parallel_loop3A_132 = arith.constant 2048 : i32
      %parallel_loop3A_133 = arith.constant 16 : i32
      scf.for %parallel_loop3A_342 = %parallel_loop3A_131 to %parallel_loop3A_132 step %parallel_loop3A_133  : i32 {
        %parallel_loop3A_343 = arith.constant 3 : i32
        %parallel_loop3A_344 = arith.index_cast %parallel_loop3A_343 : i32 to index
        %parallel_loop3A_345 = arith.index_cast %parallel_loop3A_342 : i32 to index
        %parallel_loop3A_346 = tpu.vector_load %arg5[%parallel_loop3A_344, %parallel_loop3A_345] {strides = array<i32>} : memref<8x2048xf32, #tpu.memory_space<vmem>>, vector<1x16xf32>,
        %parallel_loop3A_347 = vector.shape_cast %parallel_loop3A_346 : vector<1x16xf32> to vector<16xf32>
        %parallel_loop3A_348 = arith.addf %parallel_loop3A_347, %get3A_130 : vector<16xf32>
        %parallel_loop3A_349 = arith.constant 3 : i32
        %parallel_loop3A_350 = arith.index_cast %parallel_loop3A_349 : i32 to index
        %parallel_loop3A_351 = arith.index_cast %parallel_loop3A_342 : i32 to index
        %parallel_loop3A_352 = tpu.vector_load %arg7[%parallel_loop3A_350, %parallel_loop3A_351] {strides = array<i32>} : memref<8x2048xf32, #tpu.memory_space<vmem>>, vector<1x16xf32>,
        %parallel_loop3A_353 = vector.shape_cast %parallel_loop3A_352 : vector<1x16xf32> to vector<16xf32>
        %parallel_loop3A_354 = vector.shape_cast %parallel_loop3A_348 : vector<16xf32> to vector<1x16xf32>
        tpu.vector_store %arg7[%parallel_loop3A_350, %parallel_loop3A_351], %parallel_loop3A_354 {strides = array<i32>} : memref<8x2048xf32, #tpu.memory_space<vmem>>, vector<1x16xf32>,
      } {sc.loop_unroll_factor = 4 : i64, sc.parallel_access}
      %add3A_134 = arith.constant 4 : i32
      %add3A_135 = arith.addi %mul3A_99, %add3A_134 : i32
      %get3A_136 = arith.index_cast %add3A_135 : i32 to index
      %get3A_137 = arith.constant 0 : index
      %get3A_138 = tpu.vector_load %arg9[%get3A_136, %get3A_137] {strides = array<i32>} : memref<400x128xf32, #tpu.memory_space<vmem>>, vector<1x16xf32>,
      %get3A_139 = vector.shape_cast %get3A_138 : vector<1x16xf32> to vector<16xf32>
      %parallel_loop3A_140 = arith.constant 0 : i32
      %parallel_loop3A_141 = arith.constant 2048 : i32
      %parallel_loop3A_142 = arith.constant 16 : i32
      scf.for %parallel_loop3A_342 = %parallel_loop3A_140 to %parallel_loop3A_141 step %parallel_loop3A_142  : i32 {
        %parallel_loop3A_343 = arith.constant 4 : i32
        %parallel_loop3A_344 = arith.index_cast %parallel_loop3A_343 : i32 to index
        %parallel_loop3A_345 = arith.index_cast %parallel_loop3A_342 : i32 to index
        %parallel_loop3A_346 = tpu.vector_load %arg5[%parallel_loop3A_344, %parallel_loop3A_345] {strides = array<i32>} : memref<8x2048xf32, #tpu.memory_space<vmem>>, vector<1x16xf32>,
        %parallel_loop3A_347 = vector.shape_cast %parallel_loop3A_346 : vector<1x16xf32> to vector<16xf32>
        %parallel_loop3A_348 = arith.addf %parallel_loop3A_347, %get3A_139 : vector<16xf32>
        %parallel_loop3A_349 = arith.constant 4 : i32
        %parallel_loop3A_350 = arith.index_cast %parallel_loop3A_349 : i32 to index
        %parallel_loop3A_351 = arith.index_cast %parallel_loop3A_342 : i32 to index
        %parallel_loop3A_352 = tpu.vector_load %arg7[%parallel_loop3A_350, %parallel_loop3A_351] {strides = array<i32>} : memref<8x2048xf32, #tpu.memory_space<vmem>>, vector<1x16xf32>,
        %parallel_loop3A_353 = vector.shape_cast %parallel_loop3A_352 : vector<1x16xf32> to vector<16xf32>
        %parallel_loop3A_354 = vector.shape_cast %parallel_loop3A_348 : vector<16xf32> to vector<1x16xf32>
        tpu.vector_store %arg7[%parallel_loop3A_350, %parallel_loop3A_351], %parallel_loop3A_354 {strides = array<i32>} : memref<8x2048xf32, #tpu.memory_space<vmem>>, vector<1x16xf32>,
      } {sc.loop_unroll_factor = 4 : i64, sc.parallel_access}
      %add3A_143 = arith.constant 5 : i32
      %add3A_144 = arith.addi %mul3A_99, %add3A_143 : i32
      %get3A_145 = arith.index_cast %add3A_144 : i32 to index
      %get3A_146 = arith.constant 0 : index
      %get3A_147 = tpu.vector_load %arg9[%get3A_145, %get3A_146] {strides = array<i32>} : memref<400x128xf32, #tpu.memory_space<vmem>>, vector<1x16xf32>,
      %get3A_148 = vector.shape_cast %get3A_147 : vector<1x16xf32> to vector<16xf32>
      %parallel_loop3A_149 = arith.constant 0 : i32
      %parallel_loop3A_150 = arith.constant 2048 : i32
      %parallel_loop3A_151 = arith.constant 16 : i32
      scf.for %parallel_loop3A_342 = %parallel_loop3A_149 to %parallel_loop3A_150 step %parallel_loop3A_151  : i32 {
        %parallel_loop3A_343 = arith.constant 5 : i32
        %parallel_loop3A_344 = arith.index_cast %parallel_loop3A_343 : i32 to index
        %parallel_loop3A_345 = arith.index_cast %parallel_loop3A_342 : i32 to index
        %parallel_loop3A_346 = tpu.vector_load %arg5[%parallel_loop3A_344, %parallel_loop3A_345] {strides = array<i32>} : memref<8x2048xf32, #tpu.memory_space<vmem>>, vector<1x16xf32>,
        %parallel_loop3A_347 = vector.shape_cast %parallel_loop3A_346 : vector<1x16xf32> to vector<16xf32>
        %parallel_loop3A_348 = arith.addf %parallel_loop3A_347, %get3A_148 : vector<16xf32>
        %parallel_loop3A_349 = arith.constant 5 : i32
        %parallel_loop3A_350 = arith.index_cast %parallel_loop3A_349 : i32 to index
        %parallel_loop3A_351 = arith.index_cast %parallel_loop3A_342 : i32 to index
        %parallel_loop3A_352 = tpu.vector_load %arg7[%parallel_loop3A_350, %parallel_loop3A_351] {strides = array<i32>} : memref<8x2048xf32, #tpu.memory_space<vmem>>, vector<1x16xf32>,
        %parallel_loop3A_353 = vector.shape_cast %parallel_loop3A_352 : vector<1x16xf32> to vector<16xf32>
        %parallel_loop3A_354 = vector.shape_cast %parallel_loop3A_348 : vector<16xf32> to vector<1x16xf32>
        tpu.vector_store %arg7[%parallel_loop3A_350, %parallel_loop3A_351], %parallel_loop3A_354 {strides = array<i32>} : memref<8x2048xf32, #tpu.memory_space<vmem>>, vector<1x16xf32>,
      } {sc.loop_unroll_factor = 4 : i64, sc.parallel_access}
      %add3A_152 = arith.constant 6 : i32
      %add3A_153 = arith.addi %mul3A_99, %add3A_152 : i32
      %get3A_154 = arith.index_cast %add3A_153 : i32 to index
      %get3A_155 = arith.constant 0 : index
      %get3A_156 = tpu.vector_load %arg9[%get3A_154, %get3A_155] {strides = array<i32>} : memref<400x128xf32, #tpu.memory_space<vmem>>, vector<1x16xf32>,
      %get3A_157 = vector.shape_cast %get3A_156 : vector<1x16xf32> to vector<16xf32>
      %parallel_loop3A_158 = arith.constant 0 : i32
      %parallel_loop3A_159 = arith.constant 2048 : i32
      %parallel_loop3A_160 = arith.constant 16 : i32
      scf.for %parallel_loop3A_342 = %parallel_loop3A_158 to %parallel_loop3A_159 step %parallel_loop3A_160  : i32 {
        %parallel_loop3A_343 = arith.constant 6 : i32
        %parallel_loop3A_344 = arith.index_cast %parallel_loop3A_343 : i32 to index
        %parallel_loop3A_345 = arith.index_cast %parallel_loop3A_342 : i32 to index
        %parallel_loop3A_346 = tpu.vector_load %arg5[%parallel_loop3A_344, %parallel_loop3A_345] {strides = array<i32>} : memref<8x2048xf32, #tpu.memory_space<vmem>>, vector<1x16xf32>,
        %parallel_loop3A_347 = vector.shape_cast %parallel_loop3A_346 : vector<1x16xf32> to vector<16xf32>
        %parallel_loop3A_348 = arith.addf %parallel_loop3A_347, %get3A_157 : vector<16xf32>
        %parallel_loop3A_349 = arith.constant 6 : i32
        %parallel_loop3A_350 = arith.index_cast %parallel_loop3A_349 : i32 to index
        %parallel_loop3A_351 = arith.index_cast %parallel_loop3A_342 : i32 to index
        %parallel_loop3A_352 = tpu.vector_load %arg7[%parallel_loop3A_350, %parallel_loop3A_351] {strides = array<i32>} : memref<8x2048xf32, #tpu.memory_space<vmem>>, vector<1x16xf32>,
        %parallel_loop3A_353 = vector.shape_cast %parallel_loop3A_352 : vector<1x16xf32> to vector<16xf32>
        %parallel_loop3A_354 = vector.shape_cast %parallel_loop3A_348 : vector<16xf32> to vector<1x16xf32>
        tpu.vector_store %arg7[%parallel_loop3A_350, %parallel_loop3A_351], %parallel_loop3A_354 {strides = array<i32>} : memref<8x2048xf32, #tpu.memory_space<vmem>>, vector<1x16xf32>,
      } {sc.loop_unroll_factor = 4 : i64, sc.parallel_access}
      %add3A_161 = arith.constant 7 : i32
      %add3A_162 = arith.addi %mul3A_99, %add3A_161 : i32
      %get3A_163 = arith.index_cast %add3A_162 : i32 to index
      %get3A_164 = arith.constant 0 : index
      %get3A_165 = tpu.vector_load %arg9[%get3A_163, %get3A_164] {strides = array<i32>} : memref<400x128xf32, #tpu.memory_space<vmem>>, vector<1x16xf32>,
      %get3A_166 = vector.shape_cast %get3A_165 : vector<1x16xf32> to vector<16xf32>
      %parallel_loop3A_167 = arith.constant 0 : i32
      %parallel_loop3A_168 = arith.constant 2048 : i32
      %parallel_loop3A_169 = arith.constant 16 : i32
      scf.for %parallel_loop3A_342 = %parallel_loop3A_167 to %parallel_loop3A_168 step %parallel_loop3A_169  : i32 {
        %parallel_loop3A_343 = arith.constant 7 : i32
        %parallel_loop3A_344 = arith.index_cast %parallel_loop3A_343 : i32 to index
        %parallel_loop3A_345 = arith.index_cast %parallel_loop3A_342 : i32 to index
        %parallel_loop3A_346 = tpu.vector_load %arg5[%parallel_loop3A_344, %parallel_loop3A_345] {strides = array<i32>} : memref<8x2048xf32, #tpu.memory_space<vmem>>, vector<1x16xf32>,
        %parallel_loop3A_347 = vector.shape_cast %parallel_loop3A_346 : vector<1x16xf32> to vector<16xf32>
        %parallel_loop3A_348 = arith.addf %parallel_loop3A_347, %get3A_166 : vector<16xf32>
        %parallel_loop3A_349 = arith.constant 7 : i32
        %parallel_loop3A_350 = arith.index_cast %parallel_loop3A_349 : i32 to index
        %parallel_loop3A_351 = arith.index_cast %parallel_loop3A_342 : i32 to index
        %parallel_loop3A_352 = tpu.vector_load %arg7[%parallel_loop3A_350, %parallel_loop3A_351] {strides = array<i32>} : memref<8x2048xf32, #tpu.memory_space<vmem>>, vector<1x16xf32>,
        %parallel_loop3A_353 = vector.shape_cast %parallel_loop3A_352 : vector<1x16xf32> to vector<16xf32>
        %parallel_loop3A_354 = vector.shape_cast %parallel_loop3A_348 : vector<16xf32> to vector<1x16xf32>
        tpu.vector_store %arg7[%parallel_loop3A_350, %parallel_loop3A_351], %parallel_loop3A_354 {strides = array<i32>} : memref<8x2048xf32, #tpu.memory_space<vmem>>, vector<1x16xf32>,
      } {sc.loop_unroll_factor = 4 : i64, sc.parallel_access}
      %add3A_170 = arith.constant 2 : i32
      %add3A_171 = arith.addi %add3A_34, %add3A_170 : i32
      %lt3A_172 = arith.constant 100 : i32
      %lt3A_173 = arith.cmpi slt, %add3A_171, %lt3A_172 : i32
      %convert_element_type3A_174 = arith.extui %lt3A_173 : i1 to i32
      %cond3A_175 = arith.constant 0 : i32
      %cond3A_176 = arith.cmpi ne, %convert_element_type3A_174, %cond3A_175 : i32
      scf.if %cond3A_176 {
        %add3A_342 = arith.constant 2 : i32
        %add3A_343 = arith.addi %add3A_34, %add3A_342 : i32
        %jit3A_344 = arith.constant 2 : i32
        %div3A_345 = arith.divsi %add3A_343, %jit3A_344 : i32
        %sign3A_346 = arith.constant 0 : i32
        %sign3A_347 = arith.cmpi sgt, %add3A_343, %sign3A_346 : i32
        %sign3A_348 = arith.extui %sign3A_347 : i1 to i32
        %sign3A_349 = arith.constant 0 : i32
        %sign3A_350 = arith.cmpi slt, %add3A_343, %sign3A_349 : i32
        %sign3A_351 = arith.extui %sign3A_350 : i1 to i32
        %sign3A_352 = arith.subi %sign3A_348, %sign3A_351 : i32
        %sign3A_353 = arith.constant 0 : i32
        %sign3A_354 = arith.cmpi sgt, %jit3A_344, %sign3A_353 : i32
        %sign3A_355 = arith.extui %sign3A_354 : i1 to i32
        %sign3A_356 = arith.constant 0 : i32
        %sign3A_357 = arith.cmpi slt, %jit3A_344, %sign3A_356 : i32
        %sign3A_358 = arith.extui %sign3A_357 : i1 to i32
        %sign3A_359 = arith.subi %sign3A_355, %sign3A_358 : i32
        %ne3A_360 = arith.cmpi ne, %sign3A_352, %sign3A_359 : i32
        %rem3A_361 = arith.remsi %add3A_343, %jit3A_344 : i32
        %ne3A_362 = arith.constant 0 : i32
        %ne3A_363 = arith.cmpi ne, %rem3A_361, %ne3A_362 : i32
        %and3A_364 = arith.andi %ne3A_360, %ne3A_363 : i1
        %sub3A_365 = arith.constant 1 : i32
        %sub3A_366 = arith.subi %div3A_345, %sub3A_365 : i32
        %select_n3A_367 = arith.select %and3A_364, %sub3A_366, %div3A_345 : i32
        %jit3A_368 = arith.constant 2 : i32
        %eq3A_369 = arith.constant 0 : i32
        %eq3A_370 = arith.cmpi eq, %jit3A_368, %eq3A_369 : i32
        %jit3A_371 = arith.constant 1 : i32
        %select_n3A_372 = arith.select %eq3A_370, %jit3A_371, %jit3A_368 : i32
        %rem3A_373 = arith.remsi %add3A_343, %select_n3A_372 : i32
        %ne3A_374 = arith.constant 0 : i32
        %ne3A_375 = arith.cmpi ne, %rem3A_373, %ne3A_374 : i32
        %lt3A_376 = arith.constant 0 : i32
        %lt3A_377 = arith.cmpi slt, %rem3A_373, %lt3A_376 : i32
        %lt3A_378 = arith.constant 0 : i32
        %lt3A_379 = arith.cmpi slt, %select_n3A_372, %lt3A_378 : i32
        %ne3A_380 = arith.xori %lt3A_377, %lt3A_379 : i1
        %and3A_381 = arith.andi %ne3A_380, %ne3A_375 : i1
        %add3A_382 = arith.addi %rem3A_373, %select_n3A_372 : i32
        %select_n3A_383 = arith.select %and3A_381, %add3A_382, %rem3A_373 : i32
        %mul3A_384 = arith.constant 8 : i32
        %mul3A_385 = arith.muli %select_n3A_367, %mul3A_384 : i32
        %add3A_386 = arith.addi %mul3A_2, %mul3A_385 : i32
        %mul3A_387 = arith.constant 2048 : i32
        %mul3A_388 = arith.muli %select_n3A_383, %mul3A_387 : i32
        %dma_start3A_389 = tpu.memref_slice %arg2[%add3A_386, %mul3A_388] : memref<12800x4096xf32, #tpu.memory_space<hbm>> -> memref<8x2048xf32, #tpu.memory_space<hbm>>
        %dma_start3A_390 = tpu.memref_slice %arg2[%add3A_386, %mul3A_388] : memref<12800x4096xf32, #tpu.memory_space<hbm>> -> memref<8x2048xf32, #tpu.memory_space<hbm>>
        tpu.enqueue_dma source(%dma_start3A_390 : memref<8x2048xf32, #tpu.memory_space<hbm>>) target(%arg5 : memref<8x2048xf32, #tpu.memory_space<vmem>>) target_semaphore(%arg10 : memref<!tpu.dma_semaphore, #tpu.memory_space<semaphore_mem>>)
      } else {
      }
      %dma_start3A_177 = tpu.memref_slice %arg4[%add3A_67, %mul3A_69] : memref<12800x4096xf32, #tpu.memory_space<hbm>> -> memref<8x2048xf32, #tpu.memory_space<hbm>>
      %dma_start3A_178 = tpu.memref_slice %arg4[%add3A_67, %mul3A_69] : memref<12800x4096xf32, #tpu.memory_space<hbm>> -> memref<8x2048xf32, #tpu.memory_space<hbm>>
      tpu.enqueue_dma source(%arg7 : memref<8x2048xf32, #tpu.memory_space<vmem>>) target(%dma_start3A_178 : memref<8x2048xf32, #tpu.memory_space<hbm>>) target_semaphore(%arg12 : memref<!tpu.dma_semaphore, #tpu.memory_space<semaphore_mem>>)
      %mul3A_179 = arith.constant 2 : i32
      %mul3A_180 = arith.muli %mul3A_179, %scan3A_30 : i32
      %add3A_181 = arith.constant 1 : i32
      %add3A_182 = arith.addi %mul3A_180, %add3A_181 : i32
      %jit3A_183 = arith.constant 2 : i32
      %div3A_184 = arith.divsi %add3A_182, %jit3A_183 : i32
      %sign3A_185 = arith.constant 0 : i32
      %sign3A_186 = arith.cmpi sgt, %add3A_182, %sign3A_185 : i32
      %sign3A_187 = arith.extui %sign3A_186 : i1 to i32
      %sign3A_188 = arith.constant 0 : i32
      %sign3A_189 = arith.cmpi slt, %add3A_182, %sign3A_188 : i32
      %sign3A_190 = arith.extui %sign3A_189 : i1 to i32
      %sign3A_191 = arith.subi %sign3A_187, %sign3A_190 : i32
      %sign3A_192 = arith.constant 0 : i32
      %sign3A_193 = arith.cmpi sgt, %jit3A_183, %sign3A_192 : i32
      %sign3A_194 = arith.extui %sign3A_193 : i1 to i32
      %sign3A_195 = arith.constant 0 : i32
      %sign3A_196 = arith.cmpi slt, %jit3A_183, %sign3A_195 : i32
      %sign3A_197 = arith.extui %sign3A_196 : i1 to i32
      %sign3A_198 = arith.subi %sign3A_194, %sign3A_197 : i32
      %ne3A_199 = arith.cmpi ne, %sign3A_191, %sign3A_198 : i32
      %rem3A_200 = arith.remsi %add3A_182, %jit3A_183 : i32
      %ne3A_201 = arith.constant 0 : i32
      %ne3A_202 = arith.cmpi ne, %rem3A_200, %ne3A_201 : i32
      %and3A_203 = arith.andi %ne3A_199, %ne3A_202 : i1
      %sub3A_204 = arith.constant 1 : i32
      %sub3A_205 = arith.subi %div3A_184, %sub3A_204 : i32
      %select_n3A_206 = arith.select %and3A_203, %sub3A_205, %div3A_184 : i32
      %jit3A_207 = arith.constant 2 : i32
      %eq3A_208 = arith.constant 0 : i32
      %eq3A_209 = arith.cmpi eq, %jit3A_207, %eq3A_208 : i32
      %jit3A_210 = arith.constant 1 : i32
      %select_n3A_211 = arith.select %eq3A_209, %jit3A_210, %jit3A_207 : i32
      %rem3A_212 = arith.remsi %add3A_182, %select_n3A_211 : i32
      %ne3A_213 = arith.constant 0 : i32
      %ne3A_214 = arith.cmpi ne, %rem3A_212, %ne3A_213 : i32
      %lt3A_215 = arith.constant 0 : i32
      %lt3A_216 = arith.cmpi slt, %rem3A_212, %lt3A_215 : i32
      %lt3A_217 = arith.constant 0 : i32
      %lt3A_218 = arith.cmpi slt, %select_n3A_211, %lt3A_217 : i32
      %ne3A_219 = arith.xori %lt3A_216, %lt3A_218 : i1
      %and3A_220 = arith.andi %ne3A_219, %ne3A_214 : i1
      %add3A_221 = arith.addi %rem3A_212, %select_n3A_211 : i32
      %select_n3A_222 = arith.select %and3A_220, %add3A_221, %rem3A_212 : i32
      %mul3A_223 = arith.constant 8 : i32
      %mul3A_224 = arith.muli %select_n3A_206, %mul3A_223 : i32
      %add3A_225 = arith.addi %mul3A_2, %mul3A_224 : i32
      %mul3A_226 = arith.constant 2048 : i32
      %mul3A_227 = arith.muli %select_n3A_222, %mul3A_226 : i32
      %dma_wait3A_228 = tpu.memref_slice %arg2[%add3A_225, %mul3A_227] : memref<12800x4096xf32, #tpu.memory_space<hbm>> -> memref<8x2048xf32, #tpu.memory_space<hbm>>
      %dma_wait3A_229 = tpu.memref_slice %arg2[%add3A_225, %mul3A_227] : memref<12800x4096xf32, #tpu.memory_space<hbm>> -> memref<8x2048xf32, #tpu.memory_space<hbm>>
      tpu.wait_dma2 semaphore(%arg11 : memref<!tpu.dma_semaphore, #tpu.memory_space<semaphore_mem>>) src(%dma_wait3A_229 : memref<8x2048xf32, #tpu.memory_space<hbm>>) dst(%arg6 : memref<8x2048xf32, #tpu.memory_space<vmem>>)
      %gt3A_230 = arith.constant 0 : i32
      %gt3A_231 = arith.cmpi sgt, %scan3A_30, %gt3A_230 : i32
      %convert_element_type3A_232 = arith.extui %gt3A_231 : i1 to i32
      %cond3A_233 = arith.constant 0 : i32
      %cond3A_234 = arith.cmpi ne, %convert_element_type3A_232, %cond3A_233 : i32
      scf.if %cond3A_234 {
        %sub3A_342 = arith.constant 2 : i32
        %sub3A_343 = arith.subi %add3A_182, %sub3A_342 : i32
        %jit3A_344 = arith.constant 2 : i32
        %div3A_345 = arith.divsi %sub3A_343, %jit3A_344 : i32
        %sign3A_346 = arith.constant 0 : i32
        %sign3A_347 = arith.cmpi sgt, %sub3A_343, %sign3A_346 : i32
        %sign3A_348 = arith.extui %sign3A_347 : i1 to i32
        %sign3A_349 = arith.constant 0 : i32
        %sign3A_350 = arith.cmpi slt, %sub3A_343, %sign3A_349 : i32
        %sign3A_351 = arith.extui %sign3A_350 : i1 to i32
        %sign3A_352 = arith.subi %sign3A_348, %sign3A_351 : i32
        %sign3A_353 = arith.constant 0 : i32
        %sign3A_354 = arith.cmpi sgt, %jit3A_344, %sign3A_353 : i32
        %sign3A_355 = arith.extui %sign3A_354 : i1 to i32
        %sign3A_356 = arith.constant 0 : i32
        %sign3A_357 = arith.cmpi slt, %jit3A_344, %sign3A_356 : i32
        %sign3A_358 = arith.extui %sign3A_357 : i1 to i32
        %sign3A_359 = arith.subi %sign3A_355, %sign3A_358 : i32
        %ne3A_360 = arith.cmpi ne, %sign3A_352, %sign3A_359 : i32
        %rem3A_361 = arith.remsi %sub3A_343, %jit3A_344 : i32
        %ne3A_362 = arith.constant 0 : i32
        %ne3A_363 = arith.cmpi ne, %rem3A_361, %ne3A_362 : i32
        %and3A_364 = arith.andi %ne3A_360, %ne3A_363 : i1
        %sub3A_365 = arith.constant 1 : i32
        %sub3A_366 = arith.subi %div3A_345, %sub3A_365 : i32
        %select_n3A_367 = arith.select %and3A_364, %sub3A_366, %div3A_345 : i32
        %jit3A_368 = arith.constant 2 : i32
        %eq3A_369 = arith.constant 0 : i32
        %eq3A_370 = arith.cmpi eq, %jit3A_368, %eq3A_369 : i32
        %jit3A_371 = arith.constant 1 : i32
        %select_n3A_372 = arith.select %eq3A_370, %jit3A_371, %jit3A_368 : i32
        %rem3A_373 = arith.remsi %sub3A_343, %select_n3A_372 : i32
        %ne3A_374 = arith.constant 0 : i32
        %ne3A_375 = arith.cmpi ne, %rem3A_373, %ne3A_374 : i32
        %lt3A_376 = arith.constant 0 : i32
        %lt3A_377 = arith.cmpi slt, %rem3A_373, %lt3A_376 : i32
        %lt3A_378 = arith.constant 0 : i32
        %lt3A_379 = arith.cmpi slt, %select_n3A_372, %lt3A_378 : i32
        %ne3A_380 = arith.xori %lt3A_377, %lt3A_379 : i1
        %and3A_381 = arith.andi %ne3A_380, %ne3A_375 : i1
        %add3A_382 = arith.addi %rem3A_373, %select_n3A_372 : i32
        %select_n3A_383 = arith.select %and3A_381, %add3A_382, %rem3A_373 : i32
        %mul3A_384 = arith.constant 8 : i32
        %mul3A_385 = arith.muli %select_n3A_367, %mul3A_384 : i32
        %add3A_386 = arith.addi %mul3A_2, %mul3A_385 : i32
        %mul3A_387 = arith.constant 2048 : i32
        %mul3A_388 = arith.muli %select_n3A_383, %mul3A_387 : i32
        %dma_wait3A_389 = tpu.memref_slice %arg4[%add3A_386, %mul3A_388] : memref<12800x4096xf32, #tpu.memory_space<hbm>> -> memref<8x2048xf32, #tpu.memory_space<hbm>>
        %dma_wait3A_390 = tpu.memref_slice %arg4[%add3A_386, %mul3A_388] : memref<12800x4096xf32, #tpu.memory_space<hbm>> -> memref<8x2048xf32, #tpu.memory_space<hbm>>
        tpu.wait_dma2 semaphore(%arg13 : memref<!tpu.dma_semaphore, #tpu.memory_space<semaphore_mem>>) src(%arg8 : memref<8x2048xf32, #tpu.memory_space<vmem>>) dst(%dma_wait3A_390 : memref<8x2048xf32, #tpu.memory_space<hbm>>)
      } else {
      }
      %jit3A_235 = arith.constant 2 : i32
      %div3A_236 = arith.divsi %add3A_182, %jit3A_235 : i32
      %sign3A_237 = arith.constant 0 : i32
      %sign3A_238 = arith.cmpi sgt, %add3A_182, %sign3A_237 : i32
      %sign3A_239 = arith.extui %sign3A_238 : i1 to i32
      %sign3A_240 = arith.constant 0 : i32
      %sign3A_241 = arith.cmpi slt, %add3A_182, %sign3A_240 : i32
      %sign3A_242 = arith.extui %sign3A_241 : i1 to i32
      %sign3A_243 = arith.subi %sign3A_239, %sign3A_242 : i32
      %sign3A_244 = arith.constant 0 : i32
      %sign3A_245 = arith.cmpi sgt, %jit3A_235, %sign3A_244 : i32
      %sign3A_246 = arith.extui %sign3A_245 : i1 to i32
      %sign3A_247 = arith.constant 0 : i32
      %sign3A_248 = arith.cmpi slt, %jit3A_235, %sign3A_247 : i32
      %sign3A_249 = arith.extui %sign3A_248 : i1 to i32
      %sign3A_250 = arith.subi %sign3A_246, %sign3A_249 : i32
      %ne3A_251 = arith.cmpi ne, %sign3A_243, %sign3A_250 : i32
      %rem3A_252 = arith.remsi %add3A_182, %jit3A_235 : i32
      %ne3A_253 = arith.constant 0 : i32
      %ne3A_254 = arith.cmpi ne, %rem3A_252, %ne3A_253 : i32
      %and3A_255 = arith.andi %ne3A_251, %ne3A_254 : i1
      %sub3A_256 = arith.constant 1 : i32
      %sub3A_257 = arith.subi %div3A_236, %sub3A_256 : i32
      %select_n3A_258 = arith.select %and3A_255, %sub3A_257, %div3A_236 : i32
      %mul3A_259 = arith.constant 8 : i32
      %mul3A_260 = arith.muli %select_n3A_258, %mul3A_259 : i32
      %add3A_261 = arith.constant 0 : i32
      %add3A_262 = arith.addi %mul3A_260, %add3A_261 : i32
      %get3A_263 = arith.index_cast %add3A_262 : i32 to index
      %get3A_264 = arith.constant 0 : index
      %get3A_265 = tpu.vector_load %arg9[%get3A_263, %get3A_264] {strides = array<i32>} : memref<400x128xf32, #tpu.memory_space<vmem>>, vector<1x16xf32>,
      %get3A_266 = vector.shape_cast %get3A_265 : vector<1x16xf32> to vector<16xf32>
      %parallel_loop3A_267 = arith.constant 0 : i32
      %parallel_loop3A_268 = arith.constant 2048 : i32
      %parallel_loop3A_269 = arith.constant 16 : i32
      scf.for %parallel_loop3A_342 = %parallel_loop3A_267 to %parallel_loop3A_268 step %parallel_loop3A_269  : i32 {
        %parallel_loop3A_343 = arith.constant 0 : i32
        %parallel_loop3A_344 = arith.index_cast %parallel_loop3A_343 : i32 to index
        %parallel_loop3A_345 = arith.index_cast %parallel_loop3A_342 : i32 to index
        %parallel_loop3A_346 = tpu.vector_load %arg6[%parallel_loop3A_344, %parallel_loop3A_345] {strides = array<i32>} : memref<8x2048xf32, #tpu.memory_space<vmem>>, vector<1x16xf32>,
        %parallel_loop3A_347 = vector.shape_cast %parallel_loop3A_346 : vector<1x16xf32> to vector<16xf32>
        %parallel_loop3A_348 = arith.addf %parallel_loop3A_347, %get3A_266 : vector<16xf32>
        %parallel_loop3A_349 = arith.constant 0 : i32
        %parallel_loop3A_350 = arith.index_cast %parallel_loop3A_349 : i32 to index
        %parallel_loop3A_351 = arith.index_cast %parallel_loop3A_342 : i32 to index
        %parallel_loop3A_352 = tpu.vector_load %arg8[%parallel_loop3A_350, %parallel_loop3A_351] {strides = array<i32>} : memref<8x2048xf32, #tpu.memory_space<vmem>>, vector<1x16xf32>,
        %parallel_loop3A_353 = vector.shape_cast %parallel_loop3A_352 : vector<1x16xf32> to vector<16xf32>
        %parallel_loop3A_354 = vector.shape_cast %parallel_loop3A_348 : vector<16xf32> to vector<1x16xf32>
        tpu.vector_store %arg8[%parallel_loop3A_350, %parallel_loop3A_351], %parallel_loop3A_354 {strides = array<i32>} : memref<8x2048xf32, #tpu.memory_space<vmem>>, vector<1x16xf32>,
      } {sc.loop_unroll_factor = 4 : i64, sc.parallel_access}
      %add3A_270 = arith.constant 1 : i32
      %add3A_271 = arith.addi %mul3A_260, %add3A_270 : i32
      %get3A_272 = arith.index_cast %add3A_271 : i32 to index
      %get3A_273 = arith.constant 0 : index
      %get3A_274 = tpu.vector_load %arg9[%get3A_272, %get3A_273] {strides = array<i32>} : memref<400x128xf32, #tpu.memory_space<vmem>>, vector<1x16xf32>,
      %get3A_275 = vector.shape_cast %get3A_274 : vector<1x16xf32> to vector<16xf32>
      %parallel_loop3A_276 = arith.constant 0 : i32
      %parallel_loop3A_277 = arith.constant 2048 : i32
      %parallel_loop3A_278 = arith.constant 16 : i32
      scf.for %parallel_loop3A_342 = %parallel_loop3A_276 to %parallel_loop3A_277 step %parallel_loop3A_278  : i32 {
        %parallel_loop3A_343 = arith.constant 1 : i32
        %parallel_loop3A_344 = arith.index_cast %parallel_loop3A_343 : i32 to index
        %parallel_loop3A_345 = arith.index_cast %parallel_loop3A_342 : i32 to index
        %parallel_loop3A_346 = tpu.vector_load %arg6[%parallel_loop3A_344, %parallel_loop3A_345] {strides = array<i32>} : memref<8x2048xf32, #tpu.memory_space<vmem>>, vector<1x16xf32>,
        %parallel_loop3A_347 = vector.shape_cast %parallel_loop3A_346 : vector<1x16xf32> to vector<16xf32>
        %parallel_loop3A_348 = arith.addf %parallel_loop3A_347, %get3A_275 : vector<16xf32>
        %parallel_loop3A_349 = arith.constant 1 : i32
        %parallel_loop3A_350 = arith.index_cast %parallel_loop3A_349 : i32 to index
        %parallel_loop3A_351 = arith.index_cast %parallel_loop3A_342 : i32 to index
        %parallel_loop3A_352 = tpu.vector_load %arg8[%parallel_loop3A_350, %parallel_loop3A_351] {strides = array<i32>} : memref<8x2048xf32, #tpu.memory_space<vmem>>, vector<1x16xf32>,
        %parallel_loop3A_353 = vector.shape_cast %parallel_loop3A_352 : vector<1x16xf32> to vector<16xf32>
        %parallel_loop3A_354 = vector.shape_cast %parallel_loop3A_348 : vector<16xf32> to vector<1x16xf32>
        tpu.vector_store %arg8[%parallel_loop3A_350, %parallel_loop3A_351], %parallel_loop3A_354 {strides = array<i32>} : memref<8x2048xf32, #tpu.memory_space<vmem>>, vector<1x16xf32>,
      } {sc.loop_unroll_factor = 4 : i64, sc.parallel_access}
      %add3A_279 = arith.constant 2 : i32
      %add3A_280 = arith.addi %mul3A_260, %add3A_279 : i32
      %get3A_281 = arith.index_cast %add3A_280 : i32 to index
      %get3A_282 = arith.constant 0 : index
      %get3A_283 = tpu.vector_load %arg9[%get3A_281, %get3A_282] {strides = array<i32>} : memref<400x128xf32, #tpu.memory_space<vmem>>, vector<1x16xf32>,
      %get3A_284 = vector.shape_cast %get3A_283 : vector<1x16xf32> to vector<16xf32>
      %parallel_loop3A_285 = arith.constant 0 : i32
      %parallel_loop3A_286 = arith.constant 2048 : i32
      %parallel_loop3A_287 = arith.constant 16 : i32
      scf.for %parallel_loop3A_342 = %parallel_loop3A_285 to %parallel_loop3A_286 step %parallel_loop3A_287  : i32 {
        %parallel_loop3A_343 = arith.constant 2 : i32
        %parallel_loop3A_344 = arith.index_cast %parallel_loop3A_343 : i32 to index
        %parallel_loop3A_345 = arith.index_cast %parallel_loop3A_342 : i32 to index
        %parallel_loop3A_346 = tpu.vector_load %arg6[%parallel_loop3A_344, %parallel_loop3A_345] {strides = array<i32>} : memref<8x2048xf32, #tpu.memory_space<vmem>>, vector<1x16xf32>,
        %parallel_loop3A_347 = vector.shape_cast %parallel_loop3A_346 : vector<1x16xf32> to vector<16xf32>
        %parallel_loop3A_348 = arith.addf %parallel_loop3A_347, %get3A_284 : vector<16xf32>
        %parallel_loop3A_349 = arith.constant 2 : i32
        %parallel_loop3A_350 = arith.index_cast %parallel_loop3A_349 : i32 to index
        %parallel_loop3A_351 = arith.index_cast %parallel_loop3A_342 : i32 to index
        %parallel_loop3A_352 = tpu.vector_load %arg8[%parallel_loop3A_350, %parallel_loop3A_351] {strides = array<i32>} : memref<8x2048xf32, #tpu.memory_space<vmem>>, vector<1x16xf32>,
        %parallel_loop3A_353 = vector.shape_cast %parallel_loop3A_352 : vector<1x16xf32> to vector<16xf32>
        %parallel_loop3A_354 = vector.shape_cast %parallel_loop3A_348 : vector<16xf32> to vector<1x16xf32>
        tpu.vector_store %arg8[%parallel_loop3A_350, %parallel_loop3A_351], %parallel_loop3A_354 {strides = array<i32>} : memref<8x2048xf32, #tpu.memory_space<vmem>>, vector<1x16xf32>,
      } {sc.loop_unroll_factor = 4 : i64, sc.parallel_access}
      %add3A_288 = arith.constant 3 : i32
      %add3A_289 = arith.addi %mul3A_260, %add3A_288 : i32
      %get3A_290 = arith.index_cast %add3A_289 : i32 to index
      %get3A_291 = arith.constant 0 : index
      %get3A_292 = tpu.vector_load %arg9[%get3A_290, %get3A_291] {strides = array<i32>} : memref<400x128xf32, #tpu.memory_space<vmem>>, vector<1x16xf32>,
      %get3A_293 = vector.shape_cast %get3A_292 : vector<1x16xf32> to vector<16xf32>
      %parallel_loop3A_294 = arith.constant 0 : i32
      %parallel_loop3A_295 = arith.constant 2048 : i32
      %parallel_loop3A_296 = arith.constant 16 : i32
      scf.for %parallel_loop3A_342 = %parallel_loop3A_294 to %parallel_loop3A_295 step %parallel_loop3A_296  : i32 {
        %parallel_loop3A_343 = arith.constant 3 : i32
        %parallel_loop3A_344 = arith.index_cast %parallel_loop3A_343 : i32 to index
        %parallel_loop3A_345 = arith.index_cast %parallel_loop3A_342 : i32 to index
        %parallel_loop3A_346 = tpu.vector_load %arg6[%parallel_loop3A_344, %parallel_loop3A_345] {strides = array<i32>} : memref<8x2048xf32, #tpu.memory_space<vmem>>, vector<1x16xf32>,
        %parallel_loop3A_347 = vector.shape_cast %parallel_loop3A_346 : vector<1x16xf32> to vector<16xf32>
        %parallel_loop3A_348 = arith.addf %parallel_loop3A_347, %get3A_293 : vector<16xf32>
        %parallel_loop3A_349 = arith.constant 3 : i32
        %parallel_loop3A_350 = arith.index_cast %parallel_loop3A_349 : i32 to index
        %parallel_loop3A_351 = arith.index_cast %parallel_loop3A_342 : i32 to index
        %parallel_loop3A_352 = tpu.vector_load %arg8[%parallel_loop3A_350, %parallel_loop3A_351] {strides = array<i32>} : memref<8x2048xf32, #tpu.memory_space<vmem>>, vector<1x16xf32>,
        %parallel_loop3A_353 = vector.shape_cast %parallel_loop3A_352 : vector<1x16xf32> to vector<16xf32>
        %parallel_loop3A_354 = vector.shape_cast %parallel_loop3A_348 : vector<16xf32> to vector<1x16xf32>
        tpu.vector_store %arg8[%parallel_loop3A_350, %parallel_loop3A_351], %parallel_loop3A_354 {strides = array<i32>} : memref<8x2048xf32, #tpu.memory_space<vmem>>, vector<1x16xf32>,
      } {sc.loop_unroll_factor = 4 : i64, sc.parallel_access}
      %add3A_297 = arith.constant 4 : i32
      %add3A_298 = arith.addi %mul3A_260, %add3A_297 : i32
      %get3A_299 = arith.index_cast %add3A_298 : i32 to index
      %get3A_300 = arith.constant 0 : index
      %get3A_301 = tpu.vector_load %arg9[%get3A_299, %get3A_300] {strides = array<i32>} : memref<400x128xf32, #tpu.memory_space<vmem>>, vector<1x16xf32>,
      %get3A_302 = vector.shape_cast %get3A_301 : vector<1x16xf32> to vector<16xf32>
      %parallel_loop3A_303 = arith.constant 0 : i32
      %parallel_loop3A_304 = arith.constant 2048 : i32
      %parallel_loop3A_305 = arith.constant 16 : i32
      scf.for %parallel_loop3A_342 = %parallel_loop3A_303 to %parallel_loop3A_304 step %parallel_loop3A_305  : i32 {
        %parallel_loop3A_343 = arith.constant 4 : i32
        %parallel_loop3A_344 = arith.index_cast %parallel_loop3A_343 : i32 to index
        %parallel_loop3A_345 = arith.index_cast %parallel_loop3A_342 : i32 to index
        %parallel_loop3A_346 = tpu.vector_load %arg6[%parallel_loop3A_344, %parallel_loop3A_345] {strides = array<i32>} : memref<8x2048xf32, #tpu.memory_space<vmem>>, vector<1x16xf32>,
        %parallel_loop3A_347 = vector.shape_cast %parallel_loop3A_346 : vector<1x16xf32> to vector<16xf32>
        %parallel_loop3A_348 = arith.addf %parallel_loop3A_347, %get3A_302 : vector<16xf32>
        %parallel_loop3A_349 = arith.constant 4 : i32
        %parallel_loop3A_350 = arith.index_cast %parallel_loop3A_349 : i32 to index
        %parallel_loop3A_351 = arith.index_cast %parallel_loop3A_342 : i32 to index
        %parallel_loop3A_352 = tpu.vector_load %arg8[%parallel_loop3A_350, %parallel_loop3A_351] {strides = array<i32>} : memref<8x2048xf32, #tpu.memory_space<vmem>>, vector<1x16xf32>,
        %parallel_loop3A_353 = vector.shape_cast %parallel_loop3A_352 : vector<1x16xf32> to vector<16xf32>
        %parallel_loop3A_354 = vector.shape_cast %parallel_loop3A_348 : vector<16xf32> to vector<1x16xf32>
        tpu.vector_store %arg8[%parallel_loop3A_350, %parallel_loop3A_351], %parallel_loop3A_354 {strides = array<i32>} : memref<8x2048xf32, #tpu.memory_space<vmem>>, vector<1x16xf32>,
      } {sc.loop_unroll_factor = 4 : i64, sc.parallel_access}
      %add3A_306 = arith.constant 5 : i32
      %add3A_307 = arith.addi %mul3A_260, %add3A_306 : i32
      %get3A_308 = arith.index_cast %add3A_307 : i32 to index
      %get3A_309 = arith.constant 0 : index
      %get3A_310 = tpu.vector_load %arg9[%get3A_308, %get3A_309] {strides = array<i32>} : memref<400x128xf32, #tpu.memory_space<vmem>>, vector<1x16xf32>,
      %get3A_311 = vector.shape_cast %get3A_310 : vector<1x16xf32> to vector<16xf32>
      %parallel_loop3A_312 = arith.constant 0 : i32
      %parallel_loop3A_313 = arith.constant 2048 : i32
      %parallel_loop3A_314 = arith.constant 16 : i32
      scf.for %parallel_loop3A_342 = %parallel_loop3A_312 to %parallel_loop3A_313 step %parallel_loop3A_314  : i32 {
        %parallel_loop3A_343 = arith.constant 5 : i32
        %parallel_loop3A_344 = arith.index_cast %parallel_loop3A_343 : i32 to index
        %parallel_loop3A_345 = arith.index_cast %parallel_loop3A_342 : i32 to index
        %parallel_loop3A_346 = tpu.vector_load %arg6[%parallel_loop3A_344, %parallel_loop3A_345] {strides = array<i32>} : memref<8x2048xf32, #tpu.memory_space<vmem>>, vector<1x16xf32>,
        %parallel_loop3A_347 = vector.shape_cast %parallel_loop3A_346 : vector<1x16xf32> to vector<16xf32>
        %parallel_loop3A_348 = arith.addf %parallel_loop3A_347, %get3A_311 : vector<16xf32>
        %parallel_loop3A_349 = arith.constant 5 : i32
        %parallel_loop3A_350 = arith.index_cast %parallel_loop3A_349 : i32 to index
        %parallel_loop3A_351 = arith.index_cast %parallel_loop3A_342 : i32 to index
        %parallel_loop3A_352 = tpu.vector_load %arg8[%parallel_loop3A_350, %parallel_loop3A_351] {strides = array<i32>} : memref<8x2048xf32, #tpu.memory_space<vmem>>, vector<1x16xf32>,
        %parallel_loop3A_353 = vector.shape_cast %parallel_loop3A_352 : vector<1x16xf32> to vector<16xf32>
        %parallel_loop3A_354 = vector.shape_cast %parallel_loop3A_348 : vector<16xf32> to vector<1x16xf32>
        tpu.vector_store %arg8[%parallel_loop3A_350, %parallel_loop3A_351], %parallel_loop3A_354 {strides = array<i32>} : memref<8x2048xf32, #tpu.memory_space<vmem>>, vector<1x16xf32>,
      } {sc.loop_unroll_factor = 4 : i64, sc.parallel_access}
      %add3A_315 = arith.constant 6 : i32
      %add3A_316 = arith.addi %mul3A_260, %add3A_315 : i32
      %get3A_317 = arith.index_cast %add3A_316 : i32 to index
      %get3A_318 = arith.constant 0 : index
      %get3A_319 = tpu.vector_load %arg9[%get3A_317, %get3A_318] {strides = array<i32>} : memref<400x128xf32, #tpu.memory_space<vmem>>, vector<1x16xf32>,
      %get3A_320 = vector.shape_cast %get3A_319 : vector<1x16xf32> to vector<16xf32>
      %parallel_loop3A_321 = arith.constant 0 : i32
      %parallel_loop3A_322 = arith.constant 2048 : i32
      %parallel_loop3A_323 = arith.constant 16 : i32
      scf.for %parallel_loop3A_342 = %parallel_loop3A_321 to %parallel_loop3A_322 step %parallel_loop3A_323  : i32 {
        %parallel_loop3A_343 = arith.constant 6 : i32
        %parallel_loop3A_344 = arith.index_cast %parallel_loop3A_343 : i32 to index
        %parallel_loop3A_345 = arith.index_cast %parallel_loop3A_342 : i32 to index
        %parallel_loop3A_346 = tpu.vector_load %arg6[%parallel_loop3A_344, %parallel_loop3A_345] {strides = array<i32>} : memref<8x2048xf32, #tpu.memory_space<vmem>>, vector<1x16xf32>,
        %parallel_loop3A_347 = vector.shape_cast %parallel_loop3A_346 : vector<1x16xf32> to vector<16xf32>
        %parallel_loop3A_348 = arith.addf %parallel_loop3A_347, %get3A_320 : vector<16xf32>
        %parallel_loop3A_349 = arith.constant 6 : i32
        %parallel_loop3A_350 = arith.index_cast %parallel_loop3A_349 : i32 to index
        %parallel_loop3A_351 = arith.index_cast %parallel_loop3A_342 : i32 to index
        %parallel_loop3A_352 = tpu.vector_load %arg8[%parallel_loop3A_350, %parallel_loop3A_351] {strides = array<i32>} : memref<8x2048xf32, #tpu.memory_space<vmem>>, vector<1x16xf32>,
        %parallel_loop3A_353 = vector.shape_cast %parallel_loop3A_352 : vector<1x16xf32> to vector<16xf32>
        %parallel_loop3A_354 = vector.shape_cast %parallel_loop3A_348 : vector<16xf32> to vector<1x16xf32>
        tpu.vector_store %arg8[%parallel_loop3A_350, %parallel_loop3A_351], %parallel_loop3A_354 {strides = array<i32>} : memref<8x2048xf32, #tpu.memory_space<vmem>>, vector<1x16xf32>,
      } {sc.loop_unroll_factor = 4 : i64, sc.parallel_access}
      %add3A_324 = arith.constant 7 : i32
      %add3A_325 = arith.addi %mul3A_260, %add3A_324 : i32
      %get3A_326 = arith.index_cast %add3A_325 : i32 to index
      %get3A_327 = arith.constant 0 : index
      %get3A_328 = tpu.vector_load %arg9[%get3A_326, %get3A_327] {strides = array<i32>} : memref<400x128xf32, #tpu.memory_space<vmem>>, vector<1x16xf32>,
      %get3A_329 = vector.shape_cast %get3A_328 : vector<1x16xf32> to vector<16xf32>
      %parallel_loop3A_330 = arith.constant 0 : i32
      %parallel_loop3A_331 = arith.constant 2048 : i32
      %parallel_loop3A_332 = arith.constant 16 : i32
      scf.for %parallel_loop3A_342 = %parallel_loop3A_330 to %parallel_loop3A_331 step %parallel_loop3A_332  : i32 {
        %parallel_loop3A_343 = arith.constant 7 : i32
        %parallel_loop3A_344 = arith.index_cast %parallel_loop3A_343 : i32 to index
        %parallel_loop3A_345 = arith.index_cast %parallel_loop3A_342 : i32 to index
        %parallel_loop3A_346 = tpu.vector_load %arg6[%parallel_loop3A_344, %parallel_loop3A_345] {strides = array<i32>} : memref<8x2048xf32, #tpu.memory_space<vmem>>, vector<1x16xf32>,
        %parallel_loop3A_347 = vector.shape_cast %parallel_loop3A_346 : vector<1x16xf32> to vector<16xf32>
        %parallel_loop3A_348 = arith.addf %parallel_loop3A_347, %get3A_329 : vector<16xf32>
        %parallel_loop3A_349 = arith.constant 7 : i32
        %parallel_loop3A_350 = arith.index_cast %parallel_loop3A_349 : i32 to index
        %parallel_loop3A_351 = arith.index_cast %parallel_loop3A_342 : i32 to index
        %parallel_loop3A_352 = tpu.vector_load %arg8[%parallel_loop3A_350, %parallel_loop3A_351] {strides = array<i32>} : memref<8x2048xf32, #tpu.memory_space<vmem>>, vector<1x16xf32>,
        %parallel_loop3A_353 = vector.shape_cast %parallel_loop3A_352 : vector<1x16xf32> to vector<16xf32>
        %parallel_loop3A_354 = vector.shape_cast %parallel_loop3A_348 : vector<16xf32> to vector<1x16xf32>
        tpu.vector_store %arg8[%parallel_loop3A_350, %parallel_loop3A_351], %parallel_loop3A_354 {strides = array<i32>} : memref<8x2048xf32, #tpu.memory_space<vmem>>, vector<1x16xf32>,
      } {sc.loop_unroll_factor = 4 : i64, sc.parallel_access}
      %add3A_333 = arith.constant 2 : i32
      %add3A_334 = arith.addi %add3A_182, %add3A_333 : i32
      %lt3A_335 = arith.constant 100 : i32
      %lt3A_336 = arith.cmpi slt, %add3A_334, %lt3A_335 : i32
      %convert_element_type3A_337 = arith.extui %lt3A_336 : i1 to i32
      %cond3A_338 = arith.constant 0 : i32
      %cond3A_339 = arith.cmpi ne, %convert_element_type3A_337, %cond3A_338 : i32
      scf.if %cond3A_339 {
        %add3A_342 = arith.constant 2 : i32
        %add3A_343 = arith.addi %add3A_182, %add3A_342 : i32
        %jit3A_344 = arith.constant 2 : i32
        %div3A_345 = arith.divsi %add3A_343, %jit3A_344 : i32
        %sign3A_346 = arith.constant 0 : i32
        %sign3A_347 = arith.cmpi sgt, %add3A_343, %sign3A_346 : i32
        %sign3A_348 = arith.extui %sign3A_347 : i1 to i32
        %sign3A_349 = arith.constant 0 : i32
        %sign3A_350 = arith.cmpi slt, %add3A_343, %sign3A_349 : i32
        %sign3A_351 = arith.extui %sign3A_350 : i1 to i32
        %sign3A_352 = arith.subi %sign3A_348, %sign3A_351 : i32
        %sign3A_353 = arith.constant 0 : i32
        %sign3A_354 = arith.cmpi sgt, %jit3A_344, %sign3A_353 : i32
        %sign3A_355 = arith.extui %sign3A_354 : i1 to i32
        %sign3A_356 = arith.constant 0 : i32
        %sign3A_357 = arith.cmpi slt, %jit3A_344, %sign3A_356 : i32
        %sign3A_358 = arith.extui %sign3A_357 : i1 to i32
        %sign3A_359 = arith.subi %sign3A_355, %sign3A_358 : i32
        %ne3A_360 = arith.cmpi ne, %sign3A_352, %sign3A_359 : i32
        %rem3A_361 = arith.remsi %add3A_343, %jit3A_344 : i32
        %ne3A_362 = arith.constant 0 : i32
        %ne3A_363 = arith.cmpi ne, %rem3A_361, %ne3A_362 : i32
        %and3A_364 = arith.andi %ne3A_360, %ne3A_363 : i1
        %sub3A_365 = arith.constant 1 : i32
        %sub3A_366 = arith.subi %div3A_345, %sub3A_365 : i32
        %select_n3A_367 = arith.select %and3A_364, %sub3A_366, %div3A_345 : i32
        %jit3A_368 = arith.constant 2 : i32
        %eq3A_369 = arith.constant 0 : i32
        %eq3A_370 = arith.cmpi eq, %jit3A_368, %eq3A_369 : i32
        %jit3A_371 = arith.constant 1 : i32
        %select_n3A_372 = arith.select %eq3A_370, %jit3A_371, %jit3A_368 : i32
        %rem3A_373 = arith.remsi %add3A_343, %select_n3A_372 : i32
        %ne3A_374 = arith.constant 0 : i32
        %ne3A_375 = arith.cmpi ne, %rem3A_373, %ne3A_374 : i32
        %lt3A_376 = arith.constant 0 : i32
        %lt3A_377 = arith.cmpi slt, %rem3A_373, %lt3A_376 : i32
        %lt3A_378 = arith.constant 0 : i32
        %lt3A_379 = arith.cmpi slt, %select_n3A_372, %lt3A_378 : i32
        %ne3A_380 = arith.xori %lt3A_377, %lt3A_379 : i1
        %and3A_381 = arith.andi %ne3A_380, %ne3A_375 : i1
        %add3A_382 = arith.addi %rem3A_373, %select_n3A_372 : i32
        %select_n3A_383 = arith.select %and3A_381, %add3A_382, %rem3A_373 : i32
        %mul3A_384 = arith.constant 8 : i32
        %mul3A_385 = arith.muli %select_n3A_367, %mul3A_384 : i32
        %add3A_386 = arith.addi %mul3A_2, %mul3A_385 : i32
        %mul3A_387 = arith.constant 2048 : i32
        %mul3A_388 = arith.muli %select_n3A_383, %mul3A_387 : i32
        %dma_start3A_389 = tpu.memref_slice %arg2[%add3A_386, %mul3A_388] : memref<12800x4096xf32, #tpu.memory_space<hbm>> -> memref<8x2048xf32, #tpu.memory_space<hbm>>
        %dma_start3A_390 = tpu.memref_slice %arg2[%add3A_386, %mul3A_388] : memref<12800x4096xf32, #tpu.memory_space<hbm>> -> memref<8x2048xf32, #tpu.memory_space<hbm>>
        tpu.enqueue_dma source(%dma_start3A_390 : memref<8x2048xf32, #tpu.memory_space<hbm>>) target(%arg6 : memref<8x2048xf32, #tpu.memory_space<vmem>>) target_semaphore(%arg11 : memref<!tpu.dma_semaphore, #tpu.memory_space<semaphore_mem>>)
      } else {
      }
      %dma_start3A_340 = tpu.memref_slice %arg4[%add3A_225, %mul3A_227] : memref<12800x4096xf32, #tpu.memory_space<hbm>> -> memref<8x2048xf32, #tpu.memory_space<hbm>>
      %dma_start3A_341 = tpu.memref_slice %arg4[%add3A_225, %mul3A_227] : memref<12800x4096xf32, #tpu.memory_space<hbm>> -> memref<8x2048xf32, #tpu.memory_space<hbm>>
      tpu.enqueue_dma source(%arg8 : memref<8x2048xf32, #tpu.memory_space<vmem>>) target(%dma_start3A_341 : memref<8x2048xf32, #tpu.memory_space<hbm>>) target_semaphore(%arg13 : memref<!tpu.dma_semaphore, #tpu.memory_space<semaphore_mem>>)
    }
    %scan3A_18 = arith.constant 50 : i32
    %add3A_19 = arith.constant 392 : i32
    %add3A_20 = arith.addi %mul3A_2, %add3A_19 : i32
    %dma_wait3A = arith.constant 0 : i32
    %dma_wait3A_21 = tpu.memref_slice %arg4[%add3A_20, %dma_wait3A] : memref<12800x4096xf32, #tpu.memory_space<hbm>> -> memref<8x2048xf32, #tpu.memory_space<hbm>>
    %dma_wait3A_22 = arith.constant 0 : i32
    %dma_wait3A_23 = tpu.memref_slice %arg4[%add3A_20, %dma_wait3A_22] : memref<12800x4096xf32, #tpu.memory_space<hbm>> -> memref<8x2048xf32, #tpu.memory_space<hbm>>
    tpu.wait_dma2 semaphore(%arg12 : memref<!tpu.dma_semaphore, #tpu.memory_space<semaphore_mem>>) src(%arg7 : memref<8x2048xf32, #tpu.memory_space<vmem>>) dst(%dma_wait3A_23 : memref<8x2048xf32, #tpu.memory_space<hbm>>)
    %add3A_24 = arith.constant 392 : i32
    %add3A_25 = arith.addi %mul3A_2, %add3A_24 : i32
    %dma_wait3A_26 = arith.constant 2048 : i32
    %dma_wait3A_27 = tpu.memref_slice %arg4[%add3A_25, %dma_wait3A_26] : memref<12800x4096xf32, #tpu.memory_space<hbm>> -> memref<8x2048xf32, #tpu.memory_space<hbm>>
    %dma_wait3A_28 = arith.constant 2048 : i32
    %dma_wait3A_29 = tpu.memref_slice %arg4[%add3A_25, %dma_wait3A_28] : memref<12800x4096xf32, #tpu.memory_space<hbm>> -> memref<8x2048xf32, #tpu.memory_space<hbm>>
    tpu.wait_dma2 semaphore(%arg13 : memref<!tpu.dma_semaphore, #tpu.memory_space<semaphore_mem>>) src(%arg8 : memref<8x2048xf32, #tpu.memory_space<vmem>>) dst(%dma_wait3A_29 : memref<8x2048xf32, #tpu.memory_space<hbm>>)
    return
  }
}

</mosaic_0001>

<sc_bundles>
// kernel: kernel.3.cloned.1.call-start
scs
__scs_entry_jumppad:
0x0: {  	(pc) =	sbr.rel $0x88, $3  }
0x1: {  	(tag) =	ssettag $0x0;
	lr =	simm.s32 $0x1  }
0x2: {  	[smem:$0x3FA0] =	sst lr;
	_ =	strace $0xD0000000  }
0x3: {  	_ = 	snop  }
0x4: {  	_ = 	snop  }
0x5: {  	_ = 	snop  }
0x6: {  	_ = 	snop  }
0x7: {  	_ = 	snop  }
__scs_overlays_trampoline_lowered:
0x8: {  	[smem:$0x3FAF] =	sst s0  }
0x9: {  	[smem:$0x3FB0] =	sst s1  }
0xa: {  	[smem:$0x3FB1] =	sst s2  }
0xb: {  	[smem:$0x3FB2] =	sst s3  }
0xc: {  	[smem:$0x3FB3] =	sst s4  }
0xd: {  	[smem:$0x3FB4] =	sst s5  }
0xe: {  	[smem:$0x3FB5] =	sst s6  }
0xf: {  	[smem:$0x3FB6] =	sst s7  }
0x10: {  	[smem:$0x3FB7] =	sst s8  }
0x11: {  	[smem:$0x3FB8] =	sst s9;
	s0 =	simm.s32 @!p0 $0x0  }
0x12: {  	s1 =	sld [smem:$0x3F9E];
	s0 =	simm.s32 @p0 $0x1  }
0x13: {  	[smem:$0x3FB9] =	sst s0;
	s0 =	simm.s32 @!p1 $0x0  }
0x14: {  	s2 =	sld [smem:$0x3F9D];
	s0 =	simm.s32 @p1 $0x1  }
0x15: {  	[smem:$0x3FBA] =	sst s0;
	s0 =	simm.s32 @!p2 $0x0  }
0x16: {  	s3 =	sld [smem:$0x3FDB];
	s0 =	simm.s32 @p2 $0x1  }
0x17: {  	s4 =	simm.s32 $0x1BF5;
	[smem:$0x3FBC] =	sst s0  }
0x18: {  	s0 =	sld [smem:$0x3F9F];
	_ =	swait.ge [sflag:s4], $0x0  }
0x19: {  	s7 =	sld [smem:$0x3FA0]  }
0x1a: {  	s8 =	sadd.s32 $0xFFFFE003, lr  }
0x1b: {  	s9 =	sadd.s32 $0xFFFFFEF7, lr;
	s5 =	simm.s32 $0xFFFFFFFF;
	p2 =	slt.u32 s8, $0xFFFFF086  }
0x1c: {  	p1 =	slt.u32 s9, $0xF7A;
	s5 =	simm.s32 @!p2 $0x0  }
0x1d: {  	s5 =	simm.s32 @p1 $0x1;
	p0 =	seq.s32 s7, s2  }
0x1e: {  	s7 =	smul.u32 @!p0 $0xF7A, s2;
	p2 =	seq.s32 @!p0 s5, $0x0  }
0x1f: {  	s9 =	smul.u32 $0xF7A, s1;
	s8 =	simm.s32 @!p0 $0x1BF5;
	p2 =	por !p2, p0  }
0x20: {  	[sflag:s8] =	ssyncset.s32 @!p0 $0xFFFFF086;
	s6 =	sadd.s32 @!p0 s3, s7;
	s7 =	simm.s32 @!p0 $0x108  }
0x21: {  	s3 =	sadd.s32 s3, s9;
	s6 =	sadd.s32 @!p0 $0x88, s6;
	s7 =	simm.s32 @p2 $0x1082  }
0x22: {  	[simem:s7], [sflag:s8] =	dma.local @!p0 [hbm:s6], $0xF7A  }
0x23: {  	s9 =	sor.u32 $0xD0000000, s2;
	s6 =	simm.s32 $0x108;
	_ =	swait.ge @!p0 [sflag:s8], $0x0  }
0x24: {  	s3 =	sadd.s32 $0x88, s3;
	s6 =	simm.s32 @!p1 $0x1082;
	[sflag:s4] =	ssyncset.s32 $0xFFFFF086  }
0x25: {  	[simem:s6], [sflag:s4] =	dma.local [hbm:s3], $0xF7A  }
0x26: {  	[smem:$0x3FA0] =	sst s1;
	(tag) =	ssettag s2;
	_ =	strace s9  }
0x27: {  	s1 =	sld [smem:$0x3FB0]  }
0x28: {  	s2 =	sld [smem:$0x3FB1]  }
0x29: {  	s4 =	sld [smem:$0x3FB3]  }
0x2a: {  	p0 =	seq.s32 s5, $0x0;
	s5 =	sld [smem:$0x3FB4]  }
0x2b: {  	s6 =	sld [smem:$0x3FB5]  }
0x2c: {  	s7 =	sld [smem:$0x3FB6]  }
0x2d: {  	s3 =	simm.s32 $0x108;
	s8 =	sld [smem:$0x3FB7]  }
0x2e: {  	s3 =	simm.s32 @!p0 $0x1082;
	s9 =	sld [smem:$0x3FB8]  }
0x2f: {  	lr =	sadd.s32 s0, s3;
	s0 =	sld [smem:$0x3FAF]  }
0x30: {  	s3 =	sld [smem:$0x3FB2]  }
0x31: {  	[smem:$0x3FBB] =	sst s10  }
0x32: {  	s10 =	sld [smem:$0x3FB9];
	_ =	sdelay $0x3  }
0x33: {  	p0 =	seq.s32 s10, $0x1;
	s10 =	sld [smem:$0x3FBB];
	_ =	sdelay $0x3  }
0x34: {  	[smem:$0x3FBB] =	sst s10  }
0x35: {  	s10 =	sld [smem:$0x3FBA];
	_ =	sdelay $0x3  }
0x36: {  	p1 =	seq.s32 s10, $0x1;
	s10 =	sld [smem:$0x3FBB];
	_ =	sdelay $0x3  }
0x37: {  	[smem:$0x3FBB] =	sst s10  }
0x38: {  	s10 =	sld [smem:$0x3FBC]  }
0x39: {  	_ = 	snop;
	(pc) =	sbr.ind lr, $3  }
0x3a: {  	_ = 	snop  }
0x3b: {  	_ = 	snop  }
0x3c: {  	p2 =	seq.s32 s10, $0x1;
	s10 =	sld [smem:$0x3FBB]  }
0x3d: {  	_ =	shalt  }
0x3e: {  	_ =	shalt  }
0x3f: {  	_ =	shalt  }
0x40: {  	_ =	shalt  }
0x41: {  	_ =	shalt  }
0x42: {  	_ =	shalt  }
0x43: {  	_ =	shalt  }
0x44: {  	_ =	shalt  }
0x45: {  	_ =	shalt  }
0x46: {  	_ =	shalt  }
0x47: {  	_ =	shalt  }
0x48: {  	_ =	shalt  }
0x49: {  	_ =	shalt  }
0x4a: {  	_ =	shalt  }
0x4b: {  	_ =	shalt  }
0x4c: {  	_ =	shalt  }
0x4d: {  	_ =	shalt  }
0x4e: {  	_ =	shalt  }
0x4f: {  	_ =	shalt  }
0x50: {  	_ =	shalt  }
0x51: {  	_ =	shalt  }
0x52: {  	_ =	shalt  }
0x53: {  	_ =	shalt  }
0x54: {  	_ =	shalt  }
0x55: {  	_ =	shalt  }
0x56: {  	_ =	shalt  }
0x57: {  	_ =	shalt  }
0x58: {  	_ =	shalt  }
0x59: {  	_ =	shalt  }
0x5a: {  	_ =	shalt  }
0x5b: {  	_ =	shalt  }
0x5c: {  	_ =	shalt  }
0x5d: {  	_ =	shalt  }
0x5e: {  	_ =	shalt  }
0x5f: {  	_ =	shalt  }
0x60: {  	_ =	shalt  }
0x61: {  	_ =	shalt  }
0x62: {  	_ =	shalt  }
0x63: {  	_ =	shalt  }
0x64: {  	_ =	shalt  }
0x65: {  	_ =	shalt  }
0x66: {  	_ =	shalt  }
0x67: {  	_ =	shalt  }
0x68: {  	_ =	shalt  }
0x69: {  	_ =	shalt  }
0x6a: {  	_ =	shalt  }
0x6b: {  	_ =	shalt  }
0x6c: {  	_ =	shalt  }
0x6d: {  	_ =	shalt  }
0x6e: {  	_ =	shalt  }
0x6f: {  	_ =	shalt  }
0x70: {  	_ =	shalt  }
0x71: {  	_ =	shalt  }
0x72: {  	_ =	shalt  }
0x73: {  	_ =	shalt  }
0x74: {  	_ =	shalt  }
0x75: {  	_ =	shalt  }
0x76: {  	_ =	shalt  }
0x77: {  	_ =	shalt  }
0x78: {  	_ =	shalt  }
0x79: {  	_ =	shalt  }
0x7a: {  	_ =	shalt  }
0x7b: {  	_ =	shalt  }
0x7c: {  	_ =	shalt  }
0x7d: {  	_ =	shalt  }
0x7e: {  	_ =	shalt  }
0x7f: {  	_ =	shalt  }
0x80: {  	_ =	shalt  }
0x81: {  	_ =	shalt  }
0x82: {  	_ =	shalt  }
0x83: {  	_ =	shalt  }
0x84: {  	_ =	shalt  }
0x85: {  	_ =	shalt  }
0x86: {  	_ =	shalt  }
0x87: {  	_ =	shalt  }
.Lfunc_end0:
.L_simem_size_0:
called_computation_lowered:
.L_overlay_start_0:
0x88: {  	s2 =	sld [smem:$0x3FD9]  }
0x89: {  	s3 =	sld [smem:$0x3FFE];
	_ =	sdelay $0x1  }
0x8a: {  	s1 =	srdreg.scid  }
0x8b: {  	s0 =	sand.u32 $0x1, s1  }
0x8c: {  	s17 =	sshll.u32 s0, $0xA;
	s2 =	sadd.s32 s3, s2  }
0x8d: {  	s2 =	sadd.s32 s2, s17  }
0x8e: {  	[smem:$0x3FC7] =	sst s2  }
0x8f: {  	_ = 	snop  }
0x90: {  	s2 =	sld [smem:$0x3FC9]  }
0x91: {  	s18 =	sld [smem:$0x3FD0];
	(tm) =	ssettm $0x1  }
0x92: {  	s4 =	sld [smem:$0x3FFB];
	_ =	sdelay $0x3  }
0x93: {  	_ =	strace s4  }
0x94: {  	s4 =	sld [smem:$0x3FFC];
	_ =	sdelay $0x3  }
0x95: {  	_ =	strace s4  }
0x96: {  	s4 =	sld [smem:$0x3FFD];
	_ =	sdelay $0x3  }
0x97: {  	_ =	strace s4  }
0x98: {  	_ =	strace $0x8FFFFFFF  }
0x99: {  	s19 =	sld [smem:$0x3FDB];
	_ =	sdelay $0x1  }
0x9a: {  	s5 =	simm.s32 $_scs_section_size  }
0x9b: {  	s6 =	simm.s32 $_size__tile_overlayer_lowered;
	s7 =	simm.s32 $_tile_overlayer_lowered  }
0x9c: {  	s22 =	simm.s32 $0x1BFF;
	s21 =	sshll.u32 s7, $0x1;
	s4 =	sadd.s32 s5, s19  }
0x9d: {  	s8 =	simm.s32 $0x0;
	s20 =	sshll.u32 s6, $0x1;
	s6 =	sadd.s32 s21, s4  }
0x9e: {  	[timem:s8], [sflag:s22] =	dma.local [hbm:s6], s20  }
0x9f: {  	_ =	swait.ge [sflag:s22], s20  }
0xa0: {  	s5 =	ssub.s32 $0x0, s20;
	[sflag:s22] =	ssyncset.done $0x0  }
0xa1: {  	[sflag:s22] =	ssyncadd.s32 s5;
	_ =	sdelay $0x1  }
0xa2: {  	s23 =	simm.s32 $0x1B8B  }
0xa3: {  	_ =	swait.ge [sflag:s23], $0x1  }
0xa4: {  	[sflag:s23] =	ssyncset.done $0x0  }
0xa5: {  	s25 =	simm.s32 $0x1B8E;
	s24 =	sld [smem:$0x3FFE];
	[sflag:s23] =	ssyncadd.s32 $0xFFFFFFFF  }
0xa6: {  	s26 =	simm.s32 $execute0_lowered;
	[smem:$0x3FD2] =	sst s25  }
0xa7: {  	s6 =	sshll.u32 s26, $0x1;
	_ =	strace $0x80000046;
	[dreg:$0x1] =	wrdreg $0xFFFFFFFF  }
0xa8: {  	s28 =	simm.s32 $_size_execute0_lowered;
	s4 =	sadd.s32 s4, s6;
	[dreg:$0x0] =	wrdreg $0x0  }
0xa9: {  	s6 =	sshll.u32 s28, $0x1;
	[dreg:$0x2] =	wrdreg s4  }
0xaa: {  	[dreg:$0x3] =	wrdreg s6  }
0xab: {  	[dreg:$0x4] =	wrdreg $0xC0  }
0xac: {  	_ =	task [dreg:s8], $0x5FFFF  }
0xad: {  	[dreg:$0x1] =	wrdreg $0xFFFFFFFF  }
0xae: {  	[dreg:$0x0] =	wrdreg $0x60  }
0xaf: {  	[dreg:$0x2] =	wrdreg s2  }
0xb0: {  	[dreg:$0x3] =	wrdreg s24  }
0xb1: {  	[dreg:$0x4] =	wrdreg s18  }
0xb2: {  	[dreg:$0x5] =	wrdreg $0x9  }
0xb3: {  	_ =	task.clear_ibuf [dreg:s8], $0x6FFFF;
	_ =	strace $0x90000046  }
0xb4: {  	s29 =	simm.s32 $0x9;
	_ =	strace $0x80000048  }
0xb5: {  	_ =	swait.ge [sflag:s29], $0x1  }
0xb6: {  	[sflag:s29] =	ssyncadd.s32 $0xFFFFFFFF  }
0xb7: {  	_ =	strace $0x90000048  }
0xb8: {  	_ =	sfence  }
0xb9: {  	s30 =	sld [smem:$0x0];
	_ =	sdelay $0x2  }
0xba: {  	s31 =	sshll.u32 s1, $0xD;
	s1 =	sshrl.u32 s1, $0x2  }
0xbb: {  	s3 =	sand.u32 $0x4000, s31;
	s1 =	sadd.s32 s1, s30  }
0xbc: {  	s0 =	sor.u32 s3, s0;
	s1 =	sshll.u32 s1, $0x11  }
0xbd: {  	s0 =	sor.u32 s1, s0  }
0xbe: {  	s0 =	sadd.s32 $0x8F2B, s0  }
0xbf: {  	[sflag:s0] =	ssyncadd.remote.s32 $0x1  }
0xc0: {  	_ =	sfence.sel $0xFFFF  }
0xc1: {  	[dreg:$0x0] =	wrdreg $0xFFFFFFFF;
	(pc) =	sbr.abs _section_cstart, $3  }
0xc2: {  	[dreg:$0x1] =	wrdreg $0xFFFFFFFF  }
0xc3: {  	_ =	task.clear_ibuf [dreg:s8], $0x2FFFF;
	_ =	strace $0x9FFFFFFF  }
0xc4: {  	(tm) =	ssettm $0x7FFFFFFF  }
0xc5: {  	_ =	shalt  }
tec
execute0_lowered:
.L_overlay_start_1:
0x0: {  	(tag) =	ssettag $0x1  }
0x1: {  	s1 =	rddreg [dreg:$0x0];
	s0 =	srdreg.scid  }
0x2: {  	s3 =	stileid.u32;
	s2 =	rddreg [dreg:$0x1];
	s15 =	simm.s32 $0x5  }
0x3: {  	s17 =	simm.s32 $0x1;
	s18 =	simm.s32 $0x8000;
	s19 =	simm.s32 $0x2  }
0x4: {  	s20 =	simm.s32 $0xC000;
	s21 =	simm.s32 $0x3;
	s22 =	simm.s32 $0x4  }
0x5: {  	s23 =	simm.s32 $0x0;
	s0 =	sand.u32 $0x1, s0;
	s4 =	sshll.u32 s3, $0x1  }
0x6: {  	s3 =	rddreg [dreg:$0x2];
	s8 =	sadd.s32 $0x800, s1;
	s5 =	sor.u32 s0, s4  }
0x7: {  	s4 =	simm.s32 $0x0;
	s0 =	ssub.s32 $0x2, s0;
	s6 =	smul.u32 $0x1900, s5  }
0x8: {  	s12 =	sadd.s32 $0x800, s3;
	[smem:$0x7FF] =	sst s4;
	s7 =	smul.u32 $0x190000, s5  }
0x9: {  	s28 =	sshrl.u32 s0, $0x1;
	s5 =	smul.u32 $0x32, s5;
	s2 =	sadd.s32 s6, s2  }
0xa: {  	_ =	strace $0x80000047;
	s29 =	sshrl.u32 s7, $0x3;
	s2 =	sadd.s32 $0x400, s2  }
0xb: {  	s0 =	ssub.s32 s0, s28;
	s30 =	sadd.s32 s1, s29;
	[dreg:$0x4] =	wrdreg s2  }
0xc: {  	s10 =	sor.u32 $0x8000, s7;
	s31 =	sadd.s32 s29, s8;
	[dreg:$0x5] =	wrdreg s30  }
0xd: {  	s11 =	sor.u32 $0x1, s5;
	s13 =	smax.u32 s0, $0x1;
	[dreg:$0x6] =	wrdreg s31  }
.LBB2_1:
0xe: {  	s0 =	rddreg [dreg:$0x4];
	s2 =	simm.s32 $0x10000  }
0xf: {  	[tilespmem:s2], [sflag:$0x5] =	stream.linear.gather [hbm4b:s0+s4], $0xC800, $0x38;
	[tilespmem:$0x1C800] =	vst v63  }
0x10: {  	_ =	swait.ge [sflag:s15], $0xC800  }
0x11: {  	[sflag:s15] =	ssyncset.done $0x0  }
0x12: {  	s29 =	rddreg [dreg:$0x5];
	[sflag:s15] =	ssyncadd.s32 $0xFFFF3800  }
0x13: {  	[tilespmem:s4], [sflag:$0x1] =	stream.linear.gather [hbm4b:s29+s4], $0x4000, $0x38;
	[tilespmem:$0x1C800] =	vst v63  }
0x14: {  	s31 =	simm.s32 $0x4000;
	s24 =	simm.s32 $0x0;
	s30 =	rddreg [dreg:$0x6]  }
0x15: {  	[tilespmem:s31], [sflag:$0x2] =	stream.linear.gather [hbm4b:s30+s4], $0x4000, $0x38;
	[tilespmem:$0x1C800] =	vst v63  }
.LBB2_2:
0x16: {  	_ =	swait.ge [sflag:s17], $0x4000  }
0x17: {  	p1 =	seq.s32 s24, $0x0;
	[sflag:s17] =	ssyncset.done $0x0  }
0x18: {  	s0 =	simm.s32 @!p1 $0x3;
	[sflag:s17] =	ssyncadd.s32 $0xFFFFC000  }
0x19: {  	s29 =	sshll.u32 s24, $0xA;
	s2 =	simm.s32 $0x0;
	_ =	swait.ge @!p1 [sflag:s0], $0x4000  }
0x1a: {  	s6 =	simm.s32 $0x0;
	s25 =	sand.u32 $0x3FFFFC00, s29;
	[sflag:s0] =	ssyncset.done @!p1 $0x0  }
0x1b: {  	s30 =	sand.u32 $0x40, s6;
	s2 =	sand.u32 $0x3C00, s2;
	[sflag:s0] =	ssyncadd.s32 @!p1 $0xFFFFC000  }
0x1c: {  	s2 =	sor.u32 s30, s2;
	v0 =	vld [tilespmem:s25+$0x10000]  }
0x1d: {  	v2 =	vld [tilespmem:s2+$0x20]  }
0x1e: {  	v3 =	vld [tilespmem:s2+$0x10]  }
0x1f: {  	v4 =	vld [tilespmem:s2+$0x0]  }
0x20: {  	s14 =	simm.s32 $0x200;
	s6 =	simm.s32 $0x40;
	v5 =	vld [tilespmem:s2+$0x30]  }
0x21: {  	s7 =	sand.u32 $0x3C00, s14;
	s31 =	sand.u32 $0x40, s6  }
0x22: {  	s0 =	sor.u32 s31, s7  }
0x23: {  	v1 =	vld [tilespmem:s0+$0x20];
	v7 =	vadd.f32 v3, v0  }
0x24: {  	v3 =	vld [tilespmem:s0+$0x10];
	v6 =	vadd.f32 v2, v0  }
0x25: {  	v2 =	vld [tilespmem:s0+$0x0];
	v4 =	vadd.f32 v4, v0;
	v5 =	vadd.f32 v5, v0;
	[tilespmem:s2+$0x8010] =	vst v7  }
.LBB2_3:
0x26: {  	s6 =	sadd.s32 $0x40, s6  }
0x27: {  	v7 =	vld [tilespmem:s0+$0x30];
	s14 =	sadd.s32 $0x200, s14;
	[tilespmem:s2+$0x8020] =	vst v6;
	p0 =	slt.u32 s6, $0x7C0  }
.Ltmp0:
0x28: {  	s7 =	sand.u32 $0x40, s6;
	s16 =	sand.u32 $0x3C00, s14;
	[tilespmem:s2+$0x8000] =	vst v4;
	(pc) =	sbr.rel @p0 .LBB2_3-.Ltmp0, $4  }
0x29: {  	[tilespmem:s2+$0x8030] =	vst v5;
	v4 =	vmov v1;
	s2 =	smov.u32 s0;
	s0 =	sor.u32 s7, s16  }
0x2a: {  	v1 =	vld [tilespmem:s0+$0x20];
	v5 =	vadd.f32 v3, v0  }
0x2b: {  	v6 =	vadd.f32 v4, v0;
	v3 =	vld [tilespmem:s0+$0x10]  }
0x2c: {  	v4 =	vadd.f32 v2, v0;
	v2 =	vld [tilespmem:s0+$0x0];
	[tilespmem:s2+$0x8010] =	vst v5;
	v5 =	vadd.f32 v7, v0  }
0x2d: {  	v7 =	vld [tilespmem:s0+$0x30]  }
0x2e: {  	[tilespmem:s2+$0x8020] =	vst v6  }
0x2f: {  	[tilespmem:s2+$0x8000] =	vst v4;
	v1 =	vadd.f32 v1, v0  }
0x30: {  	[tilespmem:s2+$0x8030] =	vst v5;
	v3 =	vadd.f32 v3, v0  }
0x31: {  	v2 =	vadd.f32 v2, v0;
	[tilespmem:s0+$0x8020] =	vst v1  }
0x32: {  	[tilespmem:s0+$0x8010] =	vst v3;
	v0 =	vadd.f32 v7, v0  }
0x33: {  	s29 =	simm.s32 $0x0;
	s6 =	simm.s32 $0x0;
	[tilespmem:s0+$0x8000] =	vst v2  }
0x34: {  	s30 =	sand.u32 $0x40, s6;
	s2 =	sand.u32 $0x3C00, s29;
	[tilespmem:s0+$0x8030] =	vst v0  }
0x35: {  	s2 =	sor.u32 s30, s2;
	v0 =	vld [tilespmem:s25+$0x10080]  }
0x36: {  	v2 =	vld [tilespmem:s2+$0xA0]  }
0x37: {  	v3 =	vld [tilespmem:s2+$0x90]  }
0x38: {  	v4 =	vld [tilespmem:s2+$0x80]  }
0x39: {  	s14 =	simm.s32 $0x200;
	s6 =	simm.s32 $0x40;
	v5 =	vld [tilespmem:s2+$0xB0]  }
0x3a: {  	s7 =	sand.u32 $0x3C00, s14;
	s31 =	sand.u32 $0x40, s6  }
0x3b: {  	s0 =	sor.u32 s31, s7  }
0x3c: {  	v1 =	vld [tilespmem:s0+$0xA0];
	v7 =	vadd.f32 v3, v0  }
0x3d: {  	v3 =	vld [tilespmem:s0+$0x90];
	v6 =	vadd.f32 v2, v0  }
0x3e: {  	v2 =	vld [tilespmem:s0+$0x80];
	v4 =	vadd.f32 v4, v0;
	v5 =	vadd.f32 v5, v0;
	[tilespmem:s2+$0x8090] =	vst v7  }
.LBB2_5:
0x3f: {  	s6 =	sadd.s32 $0x40, s6  }
0x40: {  	v7 =	vld [tilespmem:s0+$0xB0];
	s14 =	sadd.s32 $0x200, s14;
	[tilespmem:s2+$0x80A0] =	vst v6;
	p0 =	slt.u32 s6, $0x7C0  }
.Ltmp1:
0x41: {  	s7 =	sand.u32 $0x40, s6;
	s16 =	sand.u32 $0x3C00, s14;
	[tilespmem:s2+$0x8080] =	vst v4;
	(pc) =	sbr.rel @p0 .LBB2_5-.Ltmp1, $4  }
0x42: {  	[tilespmem:s2+$0x80B0] =	vst v5;
	v4 =	vmov v1;
	s2 =	smov.u32 s0;
	s0 =	sor.u32 s7, s16  }
0x43: {  	v1 =	vld [tilespmem:s0+$0xA0];
	v5 =	vadd.f32 v3, v0  }
0x44: {  	v6 =	vadd.f32 v4, v0;
	v3 =	vld [tilespmem:s0+$0x90]  }
0x45: {  	v4 =	vadd.f32 v2, v0;
	v2 =	vld [tilespmem:s0+$0x80];
	[tilespmem:s2+$0x8090] =	vst v5;
	v5 =	vadd.f32 v7, v0  }
0x46: {  	v7 =	vld [tilespmem:s0+$0xB0]  }
0x47: {  	[tilespmem:s2+$0x80A0] =	vst v6  }
0x48: {  	[tilespmem:s2+$0x8080] =	vst v4;
	v1 =	vadd.f32 v1, v0  }
0x49: {  	[tilespmem:s2+$0x80B0] =	vst v5;
	v3 =	vadd.f32 v3, v0  }
0x4a: {  	v2 =	vadd.f32 v2, v0;
	[tilespmem:s0+$0x80A0] =	vst v1  }
0x4b: {  	[tilespmem:s0+$0x8090] =	vst v3;
	v0 =	vadd.f32 v7, v0  }
0x4c: {  	s29 =	simm.s32 $0x0;
	s6 =	simm.s32 $0x0;
	[tilespmem:s0+$0x8080] =	vst v2  }
0x4d: {  	s30 =	sand.u32 $0x40, s6;
	s2 =	sand.u32 $0x3C00, s29;
	[tilespmem:s0+$0x80B0] =	vst v0  }
0x4e: {  	s2 =	sor.u32 s30, s2;
	v0 =	vld [tilespmem:s25+$0x10100]  }
0x4f: {  	v2 =	vld [tilespmem:s2+$0x120]  }
0x50: {  	v3 =	vld [tilespmem:s2+$0x110]  }
0x51: {  	v4 =	vld [tilespmem:s2+$0x100]  }
0x52: {  	s14 =	simm.s32 $0x200;
	s6 =	simm.s32 $0x40;
	v5 =	vld [tilespmem:s2+$0x130]  }
0x53: {  	s7 =	sand.u32 $0x3C00, s14;
	s31 =	sand.u32 $0x40, s6  }
0x54: {  	s0 =	sor.u32 s31, s7  }
0x55: {  	v1 =	vld [tilespmem:s0+$0x120];
	v7 =	vadd.f32 v3, v0  }
0x56: {  	v3 =	vld [tilespmem:s0+$0x110];
	v6 =	vadd.f32 v2, v0  }
0x57: {  	v2 =	vld [tilespmem:s0+$0x100];
	v4 =	vadd.f32 v4, v0;
	v5 =	vadd.f32 v5, v0;
	[tilespmem:s2+$0x8110] =	vst v7  }
.LBB2_7:
0x58: {  	s6 =	sadd.s32 $0x40, s6  }
0x59: {  	v7 =	vld [tilespmem:s0+$0x130];
	s14 =	sadd.s32 $0x200, s14;
	[tilespmem:s2+$0x8120] =	vst v6;
	p0 =	slt.u32 s6, $0x7C0  }
.Ltmp2:
0x5a: {  	s7 =	sand.u32 $0x40, s6;
	s16 =	sand.u32 $0x3C00, s14;
	[tilespmem:s2+$0x8100] =	vst v4;
	(pc) =	sbr.rel @p0 .LBB2_7-.Ltmp2, $4  }
0x5b: {  	[tilespmem:s2+$0x8130] =	vst v5;
	v4 =	vmov v1;
	s2 =	smov.u32 s0;
	s0 =	sor.u32 s7, s16  }
0x5c: {  	v1 =	vld [tilespmem:s0+$0x120];
	v5 =	vadd.f32 v3, v0  }
0x5d: {  	v6 =	vadd.f32 v4, v0;
	v3 =	vld [tilespmem:s0+$0x110]  }
0x5e: {  	v4 =	vadd.f32 v2, v0;
	v2 =	vld [tilespmem:s0+$0x100];
	[tilespmem:s2+$0x8110] =	vst v5;
	v5 =	vadd.f32 v7, v0  }
0x5f: {  	v7 =	vld [tilespmem:s0+$0x130]  }
0x60: {  	[tilespmem:s2+$0x8120] =	vst v6  }
0x61: {  	[tilespmem:s2+$0x8100] =	vst v4;
	v1 =	vadd.f32 v1, v0  }
0x62: {  	[tilespmem:s2+$0x8130] =	vst v5;
	v3 =	vadd.f32 v3, v0  }
0x63: {  	v2 =	vadd.f32 v2, v0;
	[tilespmem:s0+$0x8120] =	vst v1  }
0x64: {  	[tilespmem:s0+$0x8110] =	vst v3;
	v0 =	vadd.f32 v7, v0  }
0x65: {  	s29 =	simm.s32 $0x0;
	s6 =	simm.s32 $0x0;
	[tilespmem:s0+$0x8100] =	vst v2  }
0x66: {  	s30 =	sand.u32 $0x40, s6;
	s2 =	sand.u32 $0x3C00, s29;
	[tilespmem:s0+$0x8130] =	vst v0  }
0x67: {  	s0 =	sor.u32 s30, s2;
	v0 =	vld [tilespmem:s25+$0x10180]  }
0x68: {  	v2 =	vld [tilespmem:s0+$0x1A0]  }
0x69: {  	v3 =	vld [tilespmem:s0+$0x190]  }
0x6a: {  	v4 =	vld [tilespmem:s0+$0x180]  }
0x6b: {  	s14 =	simm.s32 $0x200;
	s6 =	simm.s32 $0x40;
	v5 =	vld [tilespmem:s0+$0x1B0]  }
0x6c: {  	s7 =	sand.u32 $0x3C00, s14;
	s31 =	sand.u32 $0x40, s6  }
0x6d: {  	s2 =	sor.u32 s31, s7  }
0x6e: {  	v1 =	vld [tilespmem:s2+$0x1A0];
	v7 =	vadd.f32 v3, v0  }
0x6f: {  	v3 =	vld [tilespmem:s2+$0x190];
	v6 =	vadd.f32 v2, v0  }
0x70: {  	v2 =	vld [tilespmem:s2+$0x180];
	v4 =	vadd.f32 v4, v0;
	v5 =	vadd.f32 v5, v0;
	[tilespmem:s0+$0x8190] =	vst v7  }
.LBB2_9:
0x71: {  	s6 =	sadd.s32 $0x40, s6  }
0x72: {  	v7 =	vld [tilespmem:s2+$0x1B0];
	s14 =	sadd.s32 $0x200, s14;
	[tilespmem:s0+$0x81A0] =	vst v6;
	p0 =	slt.u32 s6, $0x7C0  }
.Ltmp3:
0x73: {  	s7 =	sand.u32 $0x40, s6;
	s16 =	sand.u32 $0x3C00, s14;
	[tilespmem:s0+$0x8180] =	vst v4;
	(pc) =	sbr.rel @p0 .LBB2_9-.Ltmp3, $4  }
0x74: {  	[tilespmem:s0+$0x81B0] =	vst v5;
	v4 =	vmov v1;
	s0 =	smov.u32 s2;
	s2 =	sor.u32 s7, s16  }
0x75: {  	v1 =	vld [tilespmem:s2+$0x1A0];
	v5 =	vadd.f32 v3, v0  }
0x76: {  	v6 =	vadd.f32 v4, v0;
	v3 =	vld [tilespmem:s2+$0x190]  }
0x77: {  	v4 =	vadd.f32 v2, v0;
	v2 =	vld [tilespmem:s2+$0x180];
	[tilespmem:s0+$0x8190] =	vst v5;
	v5 =	vadd.f32 v7, v0  }
0x78: {  	v7 =	vld [tilespmem:s2+$0x1B0]  }
0x79: {  	[tilespmem:s0+$0x81A0] =	vst v6  }
0x7a: {  	[tilespmem:s0+$0x8180] =	vst v4;
	v1 =	vadd.f32 v1, v0  }
0x7b: {  	[tilespmem:s0+$0x81B0] =	vst v5;
	v3 =	vadd.f32 v3, v0  }
0x7c: {  	p0 =	por $0x0, $0x0;
	s0 =	simm.s32 $0x1;
	v2 =	vadd.f32 v2, v0;
	[tilespmem:s2+$0x81A0] =	vst v1  }
0x7d: {  	s0 =	simm.s32 @!p0 $0x0;
	[tilespmem:s2+$0x8190] =	vst v3;
	v0 =	vadd.f32 v7, v0  }
0x7e: {  	s0 =	sshll.u32 s0, $0x6;
	[tilespmem:s2+$0x8180] =	vst v2  }
0x7f: {  	s0 =	sadd.s32 $0x0, s0;
	[tilespmem:s2+$0x81B0] =	vst v0  }
0x80: {  	s26 =	sor.u32 $0x200, s0;
	v0 =	vld [tilespmem:s25+$0x10200]  }
0x81: {  	s29 =	sor.u32 $0x210, s0;
	v3 =	vld [tilespmem:s26+$0x0]  }
0x82: {  	p0 =	por !p0, !p0;
	s2 =	simm.s32 $0x1;
	v4 =	vld [tilespmem:s29+$0x0]  }
0x83: {  	s31 =	sor.u32 $0x220, s0;
	s2 =	simm.s32 @!p0 $0x0  }
0x84: {  	s28 =	sor.u32 $0x230, s0;
	v2 =	vld [tilespmem:s31+$0x0];
	s2 =	sshll.u32 s2, $0x6  }
0x85: {  	v1 =	vld [tilespmem:s28+$0x0];
	s2 =	sadd.s32 $0x200, s2  }
0x86: {  	s14 =	simm.s32 $0x40;
	s16 =	simm.s32 $0x200;
	s6 =	sor.u32 $0x200, s2  }
0x87: {  	s0 =	sor.u32 $0x210, s2;
	s30 =	sor.u32 $0x220, s2;
	s2 =	sor.u32 $0x230, s2;
	v5 =	vadd.f32 v3, v0;
	v3 =	vld [tilespmem:s6+$0x0];
	v4 =	vadd.f32 v4, v0  }
.LBB2_11:
0x88: {  	s14 =	sadd.s32 $0x40, s14;
	p0 =	por !p0, !p0  }
0x89: {  	v6 =	vld [tilespmem:s0+$0x0];
	[tilespmem:s26+$0x8000] =	vst v5;
	v5 =	vadd.f32 v2, v0;
	s26 =	smov.u32 s6;
	s6 =	simm.s32 $0x1;
	p2 =	slt.u32 s14, $0x7C0  }
.Ltmp4:
0x8a: {  	s6 =	simm.s32 @!p0 $0x0;
	v2 =	vld [tilespmem:s30+$0x0];
	[tilespmem:s29+$0x8000] =	vst v4;
	v4 =	vadd.f32 v1, v0;
	(pc) =	sbr.rel @p2 .LBB2_11-.Ltmp4, $4  }
0x8b: {  	s16 =	sadd.s32 $0x200, s16;
	s29 =	smov.u32 s0;
	s6 =	sshll.u32 s6, $0x6;
	v1 =	vld [tilespmem:s2+$0x0];
	[tilespmem:s31+$0x8000] =	vst v5  }
0x8c: {  	s31 =	smov.u32 s30;
	s7 =	sadd.s32 s6, s16;
	[tilespmem:s28+$0x8000] =	vst v4;
	s28 =	smov.u32 s2  }
0x8d: {  	s6 =	sor.u32 $0x200, s7;
	s0 =	sor.u32 $0x210, s7;
	s30 =	sor.u32 $0x220, s7;
	v5 =	vadd.f32 v3, v0  }
0x8e: {  	s2 =	sor.u32 $0x230, s7;
	v3 =	vld [tilespmem:s6+$0x0];
	v4 =	vadd.f32 v6, v0  }
0x8f: {  	v6 =	vld [tilespmem:s0+$0x0]  }
0x90: {  	v7 =	vld [tilespmem:s30+$0x0]  }
0x91: {  	[tilespmem:s26+$0x8000] =	vst v5;
	v2 =	vadd.f32 v2, v0;
	v5 =	vld [tilespmem:s2+$0x0]  }
0x92: {  	[tilespmem:s29+$0x8000] =	vst v4;
	v1 =	vadd.f32 v1, v0  }
0x93: {  	[tilespmem:s31+$0x8000] =	vst v2;
	v2 =	vadd.f32 v3, v0  }
0x94: {  	[tilespmem:s28+$0x8000] =	vst v1;
	v1 =	vadd.f32 v6, v0  }
0x95: {  	p0 =	por $0x0, $0x0;
	[tilespmem:s6+$0x8000] =	vst v2;
	v2 =	vadd.f32 v7, v0;
	s6 =	simm.s32 $0x1  }
0x96: {  	v0 =	vadd.f32 v5, v0;
	[tilespmem:s0+$0x8000] =	vst v1;
	s6 =	simm.s32 @!p0 $0x0  }
0x97: {  	[tilespmem:s30+$0x8000] =	vst v2;
	s26 =	sshll.u32 s6, $0x6  }
0x98: {  	[tilespmem:s2+$0x8000] =	vst v0;
	s0 =	sadd.s32 $0x0, s26  }
0x99: {  	v0 =	vld [tilespmem:s25+$0x10280];
	s26 =	sor.u32 $0x280, s0  }
0x9a: {  	s29 =	sor.u32 $0x290, s0;
	v3 =	vld [tilespmem:s26+$0x0]  }
0x9b: {  	p0 =	por !p0, !p0;
	s2 =	simm.s32 $0x1;
	v4 =	vld [tilespmem:s29+$0x0]  }
0x9c: {  	s2 =	simm.s32 @!p0 $0x0;
	s31 =	sor.u32 $0x2A0, s0  }
0x9d: {  	s2 =	sshll.u32 s2, $0x6;
	s28 =	sor.u32 $0x2B0, s0;
	v2 =	vld [tilespmem:s31+$0x0]  }
0x9e: {  	s2 =	sadd.s32 $0x200, s2;
	v1 =	vld [tilespmem:s28+$0x0]  }
0x9f: {  	s14 =	simm.s32 $0x40;
	s16 =	simm.s32 $0x200;
	s6 =	sor.u32 $0x280, s2  }
0xa0: {  	s0 =	sor.u32 $0x290, s2;
	s30 =	sor.u32 $0x2A0, s2;
	s2 =	sor.u32 $0x2B0, s2;
	v5 =	vadd.f32 v3, v0;
	v3 =	vld [tilespmem:s6+$0x0];
	v4 =	vadd.f32 v4, v0  }
.LBB2_13:
0xa1: {  	s14 =	sadd.s32 $0x40, s14;
	p0 =	por !p0, !p0  }
0xa2: {  	v6 =	vld [tilespmem:s0+$0x0];
	[tilespmem:s26+$0x8000] =	vst v5;
	v5 =	vadd.f32 v2, v0;
	s26 =	smov.u32 s6;
	s6 =	simm.s32 $0x1;
	p2 =	slt.u32 s14, $0x7C0  }
.Ltmp5:
0xa3: {  	s6 =	simm.s32 @!p0 $0x0;
	v2 =	vld [tilespmem:s30+$0x0];
	[tilespmem:s29+$0x8000] =	vst v4;
	v4 =	vadd.f32 v1, v0;
	(pc) =	sbr.rel @p2 .LBB2_13-.Ltmp5, $4  }
0xa4: {  	s16 =	sadd.s32 $0x200, s16;
	s29 =	smov.u32 s0;
	s6 =	sshll.u32 s6, $0x6;
	v1 =	vld [tilespmem:s2+$0x0];
	[tilespmem:s31+$0x8000] =	vst v5  }
0xa5: {  	s31 =	smov.u32 s30;
	s7 =	sadd.s32 s6, s16;
	[tilespmem:s28+$0x8000] =	vst v4;
	s28 =	smov.u32 s2  }
0xa6: {  	s6 =	sor.u32 $0x280, s7;
	s0 =	sor.u32 $0x290, s7;
	s30 =	sor.u32 $0x2A0, s7;
	v5 =	vadd.f32 v3, v0  }
0xa7: {  	s2 =	sor.u32 $0x2B0, s7;
	v3 =	vld [tilespmem:s6+$0x0];
	v4 =	vadd.f32 v6, v0  }
0xa8: {  	v6 =	vld [tilespmem:s0+$0x0]  }
0xa9: {  	v7 =	vld [tilespmem:s30+$0x0]  }
0xaa: {  	[tilespmem:s26+$0x8000] =	vst v5;
	v2 =	vadd.f32 v2, v0;
	v5 =	vld [tilespmem:s2+$0x0]  }
0xab: {  	[tilespmem:s29+$0x8000] =	vst v4;
	v1 =	vadd.f32 v1, v0  }
0xac: {  	[tilespmem:s31+$0x8000] =	vst v2;
	v2 =	vadd.f32 v3, v0  }
0xad: {  	[tilespmem:s28+$0x8000] =	vst v1;
	v1 =	vadd.f32 v6, v0  }
0xae: {  	p0 =	por $0x0, $0x0;
	[tilespmem:s6+$0x8000] =	vst v2;
	v2 =	vadd.f32 v7, v0;
	s6 =	simm.s32 $0x1  }
0xaf: {  	v0 =	vadd.f32 v5, v0;
	[tilespmem:s0+$0x8000] =	vst v1;
	s6 =	simm.s32 @!p0 $0x0  }
0xb0: {  	[tilespmem:s30+$0x8000] =	vst v2;
	s26 =	sshll.u32 s6, $0x6  }
0xb1: {  	[tilespmem:s2+$0x8000] =	vst v0;
	s0 =	sadd.s32 $0x0, s26  }
0xb2: {  	v0 =	vld [tilespmem:s25+$0x10300];
	s26 =	sor.u32 $0x300, s0  }
0xb3: {  	s29 =	sor.u32 $0x310, s0;
	v3 =	vld [tilespmem:s26+$0x0]  }
0xb4: {  	p0 =	por !p0, !p0;
	s2 =	simm.s32 $0x1;
	v4 =	vld [tilespmem:s29+$0x0]  }
0xb5: {  	s2 =	simm.s32 @!p0 $0x0;
	s31 =	sor.u32 $0x320, s0  }
0xb6: {  	s2 =	sshll.u32 s2, $0x6;
	s28 =	sor.u32 $0x330, s0;
	v2 =	vld [tilespmem:s31+$0x0]  }
0xb7: {  	s2 =	sadd.s32 $0x200, s2;
	v1 =	vld [tilespmem:s28+$0x0]  }
0xb8: {  	s14 =	simm.s32 $0x40;
	s16 =	simm.s32 $0x200;
	s6 =	sor.u32 $0x300, s2  }
0xb9: {  	s0 =	sor.u32 $0x310, s2;
	s30 =	sor.u32 $0x320, s2;
	s2 =	sor.u32 $0x330, s2;
	v5 =	vadd.f32 v3, v0;
	v3 =	vld [tilespmem:s6+$0x0];
	v4 =	vadd.f32 v4, v0  }
.LBB2_15:
0xba: {  	s14 =	sadd.s32 $0x40, s14;
	p0 =	por !p0, !p0  }
0xbb: {  	v6 =	vld [tilespmem:s0+$0x0];
	[tilespmem:s26+$0x8000] =	vst v5;
	v5 =	vadd.f32 v2, v0;
	s26 =	smov.u32 s6;
	s6 =	simm.s32 $0x1;
	p2 =	slt.u32 s14, $0x7C0  }
.Ltmp6:
0xbc: {  	s6 =	simm.s32 @!p0 $0x0;
	v2 =	vld [tilespmem:s30+$0x0];
	[tilespmem:s29+$0x8000] =	vst v4;
	v4 =	vadd.f32 v1, v0;
	(pc) =	sbr.rel @p2 .LBB2_15-.Ltmp6, $4  }
0xbd: {  	s16 =	sadd.s32 $0x200, s16;
	s29 =	smov.u32 s0;
	s6 =	sshll.u32 s6, $0x6;
	v1 =	vld [tilespmem:s2+$0x0];
	[tilespmem:s31+$0x8000] =	vst v5  }
0xbe: {  	s31 =	smov.u32 s30;
	s7 =	sadd.s32 s6, s16;
	[tilespmem:s28+$0x8000] =	vst v4;
	s28 =	smov.u32 s2  }
0xbf: {  	s6 =	sor.u32 $0x300, s7;
	s0 =	sor.u32 $0x310, s7;
	s30 =	sor.u32 $0x320, s7;
	v5 =	vadd.f32 v3, v0  }
0xc0: {  	s2 =	sor.u32 $0x330, s7;
	v3 =	vld [tilespmem:s6+$0x0];
	v4 =	vadd.f32 v6, v0  }
0xc1: {  	v6 =	vld [tilespmem:s0+$0x0]  }
0xc2: {  	v7 =	vld [tilespmem:s30+$0x0]  }
0xc3: {  	[tilespmem:s26+$0x8000] =	vst v5;
	v2 =	vadd.f32 v2, v0;
	v5 =	vld [tilespmem:s2+$0x0]  }
0xc4: {  	[tilespmem:s29+$0x8000] =	vst v4;
	v1 =	vadd.f32 v1, v0  }
0xc5: {  	[tilespmem:s31+$0x8000] =	vst v2;
	v2 =	vadd.f32 v3, v0  }
0xc6: {  	[tilespmem:s28+$0x8000] =	vst v1;
	v1 =	vadd.f32 v6, v0  }
0xc7: {  	p0 =	por $0x0, $0x0;
	[tilespmem:s6+$0x8000] =	vst v2;
	v2 =	vadd.f32 v7, v0;
	s6 =	simm.s32 $0x1  }
0xc8: {  	v0 =	vadd.f32 v5, v0;
	[tilespmem:s0+$0x8000] =	vst v1;
	s6 =	simm.s32 @!p0 $0x0  }
0xc9: {  	[tilespmem:s30+$0x8000] =	vst v2;
	s26 =	sshll.u32 s6, $0x6  }
0xca: {  	[tilespmem:s2+$0x8000] =	vst v0;
	s0 =	sadd.s32 $0x0, s26  }
0xcb: {  	v0 =	vld [tilespmem:s25+$0x10380];
	s26 =	sor.u32 $0x380, s0  }
0xcc: {  	s29 =	sor.u32 $0x390, s0;
	v3 =	vld [tilespmem:s26+$0x0]  }
0xcd: {  	p0 =	por !p0, !p0;
	s2 =	simm.s32 $0x1;
	v4 =	vld [tilespmem:s29+$0x0]  }
0xce: {  	s2 =	simm.s32 @!p0 $0x0;
	s31 =	sor.u32 $0x3A0, s0  }
0xcf: {  	s2 =	sshll.u32 s2, $0x6;
	s28 =	sor.u32 $0x3B0, s0;
	v2 =	vld [tilespmem:s31+$0x0]  }
0xd0: {  	s2 =	sadd.s32 $0x200, s2;
	v1 =	vld [tilespmem:s28+$0x0]  }
0xd1: {  	s14 =	simm.s32 $0x40;
	s16 =	simm.s32 $0x200;
	s6 =	sor.u32 $0x380, s2  }
0xd2: {  	s0 =	sor.u32 $0x390, s2;
	s30 =	sor.u32 $0x3A0, s2;
	s2 =	sor.u32 $0x3B0, s2;
	v5 =	vadd.f32 v3, v0;
	v3 =	vld [tilespmem:s6+$0x0];
	v4 =	vadd.f32 v4, v0  }
.LBB2_17:
0xd3: {  	s14 =	sadd.s32 $0x40, s14;
	p0 =	por !p0, !p0  }
0xd4: {  	v6 =	vld [tilespmem:s0+$0x0];
	[tilespmem:s26+$0x8000] =	vst v5;
	v5 =	vadd.f32 v2, v0;
	s26 =	smov.u32 s6;
	s6 =	simm.s32 $0x1;
	p2 =	slt.u32 s14, $0x7C0  }
.Ltmp7:
0xd5: {  	s6 =	simm.s32 @!p0 $0x0;
	v2 =	vld [tilespmem:s30+$0x0];
	[tilespmem:s29+$0x8000] =	vst v4;
	v4 =	vadd.f32 v1, v0;
	(pc) =	sbr.rel @p2 .LBB2_17-.Ltmp7, $4  }
0xd6: {  	s16 =	sadd.s32 $0x200, s16;
	s29 =	smov.u32 s0;
	s6 =	sshll.u32 s6, $0x6;
	v1 =	vld [tilespmem:s2+$0x0];
	[tilespmem:s31+$0x8000] =	vst v5  }
0xd7: {  	s31 =	smov.u32 s30;
	s7 =	sadd.s32 s6, s16;
	[tilespmem:s28+$0x8000] =	vst v4;
	s28 =	smov.u32 s2  }
0xd8: {  	s6 =	sor.u32 $0x380, s7;
	s0 =	sor.u32 $0x390, s7;
	s30 =	sor.u32 $0x3A0, s7;
	v5 =	vadd.f32 v3, v0  }
0xd9: {  	s2 =	sor.u32 $0x3B0, s7;
	v3 =	vld [tilespmem:s6+$0x0];
	v4 =	vadd.f32 v6, v0  }
0xda: {  	v6 =	vld [tilespmem:s0+$0x0]  }
0xdb: {  	v7 =	vld [tilespmem:s30+$0x0]  }
0xdc: {  	[tilespmem:s26+$0x8000] =	vst v5;
	v2 =	vadd.f32 v2, v0;
	v5 =	vld [tilespmem:s2+$0x0]  }
0xdd: {  	[tilespmem:s29+$0x8000] =	vst v4;
	v1 =	vadd.f32 v1, v0  }
0xde: {  	[tilespmem:s31+$0x8000] =	vst v2;
	v2 =	vadd.f32 v3, v0  }
0xdf: {  	p0 =	seq.s32 s24, $0x31;
	[tilespmem:s28+$0x8000] =	vst v1;
	v1 =	vadd.f32 v6, v0  }
0xe0: {  	[tilespmem:s6+$0x8000] =	vst v2;
	v2 =	vadd.f32 v7, v0;
	s6 =	sshll.u32 @!p0 s24, $0xF  }
0xe1: {  	v0 =	vadd.f32 v5, v0;
	[tilespmem:s0+$0x8000] =	vst v1;
	s0 =	sadd.s32 @!p0 s6, s10  }
0xe2: {  	s26 =	sadd.s32 s5, s24;
	[tilespmem:s30+$0x8000] =	vst v2;
	s0 =	sshrl.u32 @!p0 s0, $0x3  }
0xe3: {  	s26 =	sshll.u32 s26, $0xC;
	[tilespmem:s2+$0x8000] =	vst v0;
	s2 =	simm.s32 @!p0 $0x0;
	s0 =	sadd.s32 @!p0 s1, s0  }
0xe4: {  	[tilespmem:s2], [sflag:$0x1] =	stream.linear.gather @!p0 [hbm4b:s0+s2], $0x4000, $0x38;
	[tilespmem:$0x1C800] =	vst v63  }
0xe5: {  	s0 =	sadd.s32 s3, s26  }
0xe6: {  	[hbm4b:s0+s4] =	stream.linear.scatter [tilespmem:s18], [sflag:$0x3], $0x4000, $0x38;
	[tilespmem:$0x1C800] =	vst v63  }
0xe7: {  	_ =	swait.ge [sflag:s19], $0x4000  }
0xe8: {  	[sflag:s19] =	ssyncset.done $0x0  }
0xe9: {  	s0 =	simm.s32 @!p1 $0x4;
	[sflag:s19] =	ssyncadd.s32 $0xFFFFC000  }
0xea: {  	_ =	swait.ge @!p1 [sflag:s0], $0x4000  }
0xeb: {  	s29 =	simm.s32 $0x0;
	s28 =	simm.s32 $0x0;
	[sflag:s0] =	ssyncset.done @!p1 $0x0  }
0xec: {  	s30 =	sand.u32 $0x40, s29;
	s2 =	sand.u32 $0x3C00, s28;
	[sflag:s0] =	ssyncadd.s32 @!p1 $0xFFFFC000  }
0xed: {  	s2 =	sor.u32 s30, s2;
	v0 =	vld [tilespmem:s25+$0x10000]  }
0xee: {  	v2 =	vld [tilespmem:s2+$0x4020]  }
0xef: {  	v3 =	vld [tilespmem:s2+$0x4010]  }
0xf0: {  	v4 =	vld [tilespmem:s2+$0x4000]  }
0xf1: {  	s14 =	simm.s32 $0x200;
	s6 =	simm.s32 $0x40;
	v5 =	vld [tilespmem:s2+$0x4030]  }
0xf2: {  	s7 =	sand.u32 $0x3C00, s14;
	s31 =	sand.u32 $0x40, s6  }
0xf3: {  	s0 =	sor.u32 s31, s7  }
0xf4: {  	v1 =	vld [tilespmem:s0+$0x4020];
	v7 =	vadd.f32 v3, v0  }
0xf5: {  	v3 =	vld [tilespmem:s0+$0x4010];
	v6 =	vadd.f32 v2, v0  }
0xf6: {  	v2 =	vld [tilespmem:s0+$0x4000];
	v4 =	vadd.f32 v4, v0;
	v5 =	vadd.f32 v5, v0;
	[tilespmem:s2+$0xC010] =	vst v7  }
.LBB2_19:
0xf7: {  	s6 =	sadd.s32 $0x40, s6  }
0xf8: {  	v7 =	vld [tilespmem:s0+$0x4030];
	s14 =	sadd.s32 $0x200, s14;
	[tilespmem:s2+$0xC020] =	vst v6;
	p1 =	slt.u32 s6, $0x7C0  }
.Ltmp8:
0xf9: {  	s7 =	sand.u32 $0x40, s6;
	s16 =	sand.u32 $0x3C00, s14;
	[tilespmem:s2+$0xC000] =	vst v4;
	(pc) =	sbr.rel @p1 .LBB2_19-.Ltmp8, $4  }
0xfa: {  	[tilespmem:s2+$0xC030] =	vst v5;
	v4 =	vmov v1;
	s2 =	smov.u32 s0;
	s0 =	sor.u32 s7, s16  }
0xfb: {  	v1 =	vld [tilespmem:s0+$0x4020];
	v5 =	vadd.f32 v3, v0  }
0xfc: {  	v6 =	vadd.f32 v4, v0;
	v3 =	vld [tilespmem:s0+$0x4010]  }
0xfd: {  	v4 =	vadd.f32 v2, v0;
	v2 =	vld [tilespmem:s0+$0x4000];
	[tilespmem:s2+$0xC010] =	vst v5;
	v5 =	vadd.f32 v7, v0  }
0xfe: {  	v7 =	vld [tilespmem:s0+$0x4030]  }
0xff: {  	[tilespmem:s2+$0xC020] =	vst v6  }
0x100: {  	[tilespmem:s2+$0xC000] =	vst v4;
	v1 =	vadd.f32 v1, v0  }
0x101: {  	[tilespmem:s2+$0xC030] =	vst v5;
	v3 =	vadd.f32 v3, v0  }
0x102: {  	v2 =	vadd.f32 v2, v0;
	[tilespmem:s0+$0xC020] =	vst v1  }
0x103: {  	[tilespmem:s0+$0xC010] =	vst v3;
	v0 =	vadd.f32 v7, v0  }
0x104: {  	s29 =	simm.s32 $0x0;
	s6 =	simm.s32 $0x0;
	[tilespmem:s0+$0xC000] =	vst v2  }
0x105: {  	s30 =	sand.u32 $0x40, s6;
	s2 =	sand.u32 $0x3C00, s29;
	[tilespmem:s0+$0xC030] =	vst v0  }
0x106: {  	s2 =	sor.u32 s30, s2;
	v0 =	vld [tilespmem:s25+$0x10080]  }
0x107: {  	v2 =	vld [tilespmem:s2+$0x40A0]  }
0x108: {  	v3 =	vld [tilespmem:s2+$0x4090]  }
0x109: {  	v4 =	vld [tilespmem:s2+$0x4080]  }
0x10a: {  	s14 =	simm.s32 $0x200;
	s6 =	simm.s32 $0x40;
	v5 =	vld [tilespmem:s2+$0x40B0]  }
0x10b: {  	s7 =	sand.u32 $0x3C00, s14;
	s31 =	sand.u32 $0x40, s6  }
0x10c: {  	s0 =	sor.u32 s31, s7  }
0x10d: {  	v1 =	vld [tilespmem:s0+$0x40A0];
	v7 =	vadd.f32 v3, v0  }
0x10e: {  	v3 =	vld [tilespmem:s0+$0x4090];
	v6 =	vadd.f32 v2, v0  }
0x10f: {  	v2 =	vld [tilespmem:s0+$0x4080];
	v4 =	vadd.f32 v4, v0;
	v5 =	vadd.f32 v5, v0;
	[tilespmem:s2+$0xC090] =	vst v7  }
.LBB2_21:
0x110: {  	s6 =	sadd.s32 $0x40, s6  }
0x111: {  	v7 =	vld [tilespmem:s0+$0x40B0];
	s14 =	sadd.s32 $0x200, s14;
	[tilespmem:s2+$0xC0A0] =	vst v6;
	p1 =	slt.u32 s6, $0x7C0  }
.Ltmp9:
0x112: {  	s7 =	sand.u32 $0x40, s6;
	s16 =	sand.u32 $0x3C00, s14;
	[tilespmem:s2+$0xC080] =	vst v4;
	(pc) =	sbr.rel @p1 .LBB2_21-.Ltmp9, $4  }
0x113: {  	[tilespmem:s2+$0xC0B0] =	vst v5;
	v4 =	vmov v1;
	s2 =	smov.u32 s0;
	s0 =	sor.u32 s7, s16  }
0x114: {  	v1 =	vld [tilespmem:s0+$0x40A0];
	v5 =	vadd.f32 v3, v0  }
0x115: {  	v6 =	vadd.f32 v4, v0;
	v3 =	vld [tilespmem:s0+$0x4090]  }
0x116: {  	v4 =	vadd.f32 v2, v0;
	v2 =	vld [tilespmem:s0+$0x4080];
	[tilespmem:s2+$0xC090] =	vst v5;
	v5 =	vadd.f32 v7, v0  }
0x117: {  	v7 =	vld [tilespmem:s0+$0x40B0]  }
0x118: {  	[tilespmem:s2+$0xC0A0] =	vst v6  }
0x119: {  	[tilespmem:s2+$0xC080] =	vst v4;
	v1 =	vadd.f32 v1, v0  }
0x11a: {  	[tilespmem:s2+$0xC0B0] =	vst v5;
	v3 =	vadd.f32 v3, v0  }
0x11b: {  	v2 =	vadd.f32 v2, v0;
	[tilespmem:s0+$0xC0A0] =	vst v1  }
0x11c: {  	[tilespmem:s0+$0xC090] =	vst v3;
	v0 =	vadd.f32 v7, v0  }
0x11d: {  	s29 =	simm.s32 $0x0;
	s6 =	simm.s32 $0x0;
	[tilespmem:s0+$0xC080] =	vst v2  }
0x11e: {  	s30 =	sand.u32 $0x40, s6;
	s2 =	sand.u32 $0x3C00, s29;
	[tilespmem:s0+$0xC0B0] =	vst v0  }
0x11f: {  	s2 =	sor.u32 s30, s2;
	v0 =	vld [tilespmem:s25+$0x10100]  }
0x120: {  	v2 =	vld [tilespmem:s2+$0x4120]  }
0x121: {  	v3 =	vld [tilespmem:s2+$0x4110]  }
0x122: {  	v4 =	vld [tilespmem:s2+$0x4100]  }
0x123: {  	s14 =	simm.s32 $0x200;
	s6 =	simm.s32 $0x40;
	v5 =	vld [tilespmem:s2+$0x4130]  }
0x124: {  	s7 =	sand.u32 $0x3C00, s14;
	s31 =	sand.u32 $0x40, s6  }
0x125: {  	s0 =	sor.u32 s31, s7  }
0x126: {  	v1 =	vld [tilespmem:s0+$0x4120];
	v7 =	vadd.f32 v3, v0  }
0x127: {  	v3 =	vld [tilespmem:s0+$0x4110];
	v6 =	vadd.f32 v2, v0  }
0x128: {  	v2 =	vld [tilespmem:s0+$0x4100];
	v4 =	vadd.f32 v4, v0;
	v5 =	vadd.f32 v5, v0;
	[tilespmem:s2+$0xC110] =	vst v7  }
.LBB2_23:
0x129: {  	s6 =	sadd.s32 $0x40, s6  }
0x12a: {  	v7 =	vld [tilespmem:s0+$0x4130];
	s14 =	sadd.s32 $0x200, s14;
	[tilespmem:s2+$0xC120] =	vst v6;
	p1 =	slt.u32 s6, $0x7C0  }
.Ltmp10:
0x12b: {  	s7 =	sand.u32 $0x40, s6;
	s16 =	sand.u32 $0x3C00, s14;
	[tilespmem:s2+$0xC100] =	vst v4;
	(pc) =	sbr.rel @p1 .LBB2_23-.Ltmp10, $4  }
0x12c: {  	[tilespmem:s2+$0xC130] =	vst v5;
	v4 =	vmov v1;
	s2 =	smov.u32 s0;
	s0 =	sor.u32 s7, s16  }
0x12d: {  	v1 =	vld [tilespmem:s0+$0x4120];
	v5 =	vadd.f32 v3, v0  }
0x12e: {  	v6 =	vadd.f32 v4, v0;
	v3 =	vld [tilespmem:s0+$0x4110]  }
0x12f: {  	v4 =	vadd.f32 v2, v0;
	v2 =	vld [tilespmem:s0+$0x4100];
	[tilespmem:s2+$0xC110] =	vst v5;
	v5 =	vadd.f32 v7, v0  }
0x130: {  	v7 =	vld [tilespmem:s0+$0x4130]  }
0x131: {  	[tilespmem:s2+$0xC120] =	vst v6  }
0x132: {  	[tilespmem:s2+$0xC100] =	vst v4;
	v1 =	vadd.f32 v1, v0  }
0x133: {  	[tilespmem:s2+$0xC130] =	vst v5;
	v3 =	vadd.f32 v3, v0  }
0x134: {  	v2 =	vadd.f32 v2, v0;
	[tilespmem:s0+$0xC120] =	vst v1  }
0x135: {  	[tilespmem:s0+$0xC110] =	vst v3;
	v0 =	vadd.f32 v7, v0  }
0x136: {  	s29 =	simm.s32 $0x0;
	s6 =	simm.s32 $0x0;
	[tilespmem:s0+$0xC100] =	vst v2  }
0x137: {  	s30 =	sand.u32 $0x40, s6;
	s2 =	sand.u32 $0x3C00, s29;
	[tilespmem:s0+$0xC130] =	vst v0  }
0x138: {  	s0 =	sor.u32 s30, s2;
	v0 =	vld [tilespmem:s25+$0x10180]  }
0x139: {  	v2 =	vld [tilespmem:s0+$0x41A0]  }
0x13a: {  	v3 =	vld [tilespmem:s0+$0x4190]  }
0x13b: {  	v4 =	vld [tilespmem:s0+$0x4180]  }
0x13c: {  	s14 =	simm.s32 $0x200;
	s6 =	simm.s32 $0x40;
	v5 =	vld [tilespmem:s0+$0x41B0]  }
0x13d: {  	s7 =	sand.u32 $0x3C00, s14;
	s31 =	sand.u32 $0x40, s6  }
0x13e: {  	s2 =	sor.u32 s31, s7  }
0x13f: {  	v1 =	vld [tilespmem:s2+$0x41A0];
	v7 =	vadd.f32 v3, v0  }
0x140: {  	v3 =	vld [tilespmem:s2+$0x4190];
	v6 =	vadd.f32 v2, v0  }
0x141: {  	v2 =	vld [tilespmem:s2+$0x4180];
	v4 =	vadd.f32 v4, v0;
	v5 =	vadd.f32 v5, v0;
	[tilespmem:s0+$0xC190] =	vst v7  }
.LBB2_25:
0x142: {  	s6 =	sadd.s32 $0x40, s6  }
0x143: {  	v7 =	vld [tilespmem:s2+$0x41B0];
	s14 =	sadd.s32 $0x200, s14;
	[tilespmem:s0+$0xC1A0] =	vst v6;
	p1 =	slt.u32 s6, $0x7C0  }
.Ltmp11:
0x144: {  	s7 =	sand.u32 $0x40, s6;
	s16 =	sand.u32 $0x3C00, s14;
	[tilespmem:s0+$0xC180] =	vst v4;
	(pc) =	sbr.rel @p1 .LBB2_25-.Ltmp11, $4  }
0x145: {  	[tilespmem:s0+$0xC1B0] =	vst v5;
	v4 =	vmov v1;
	s0 =	smov.u32 s2;
	s2 =	sor.u32 s7, s16  }
0x146: {  	v1 =	vld [tilespmem:s2+$0x41A0];
	v5 =	vadd.f32 v3, v0  }
0x147: {  	v6 =	vadd.f32 v4, v0;
	v3 =	vld [tilespmem:s2+$0x4190]  }
0x148: {  	v4 =	vadd.f32 v2, v0;
	v2 =	vld [tilespmem:s2+$0x4180];
	[tilespmem:s0+$0xC190] =	vst v5;
	v5 =	vadd.f32 v7, v0  }
0x149: {  	v7 =	vld [tilespmem:s2+$0x41B0]  }
0x14a: {  	[tilespmem:s0+$0xC1A0] =	vst v6  }
0x14b: {  	[tilespmem:s0+$0xC180] =	vst v4;
	v1 =	vadd.f32 v1, v0  }
0x14c: {  	[tilespmem:s0+$0xC1B0] =	vst v5;
	v3 =	vadd.f32 v3, v0  }
0x14d: {  	p1 =	por $0x0, $0x0;
	s0 =	simm.s32 $0x1;
	v2 =	vadd.f32 v2, v0;
	[tilespmem:s2+$0xC1A0] =	vst v1  }
0x14e: {  	s0 =	simm.s32 @!p1 $0x0;
	[tilespmem:s2+$0xC190] =	vst v3;
	v0 =	vadd.f32 v7, v0  }
0x14f: {  	s0 =	sshll.u32 s0, $0x6;
	[tilespmem:s2+$0xC180] =	vst v2  }
0x150: {  	s0 =	sadd.s32 $0x0, s0;
	[tilespmem:s2+$0xC1B0] =	vst v0  }
0x151: {  	s28 =	sor.u32 $0x200, s0;
	v0 =	vld [tilespmem:s25+$0x10200]  }
0x152: {  	s30 =	sor.u32 $0x210, s0;
	v3 =	vld [tilespmem:s28+$0x4000]  }
0x153: {  	s6 =	simm.s32 $0x1;
	p1 =	por !p1, !p1;
	v4 =	vld [tilespmem:s30+$0x4000]  }
0x154: {  	s6 =	simm.s32 @!p1 $0x0;
	s2 =	sor.u32 $0x220, s0  }
0x155: {  	s6 =	sshll.u32 s6, $0x6;
	s29 =	sor.u32 $0x230, s0;
	v2 =	vld [tilespmem:s2+$0x4000]  }
0x156: {  	s9 =	sadd.s32 $0x200, s6;
	v1 =	vld [tilespmem:s29+$0x4000]  }
0x157: {  	s16 =	simm.s32 $0x40;
	s6 =	simm.s32 $0x200;
	s7 =	sor.u32 $0x200, s9  }
0x158: {  	s14 =	sor.u32 $0x210, s9;
	s31 =	sor.u32 $0x220, s9;
	s0 =	sor.u32 $0x230, s9;
	v5 =	vadd.f32 v3, v0;
	v3 =	vld [tilespmem:s7+$0x4000];
	v4 =	vadd.f32 v4, v0  }
.LBB2_27:
0x159: {  	s16 =	sadd.s32 $0x40, s16;
	p1 =	por !p1, !p1  }
0x15a: {  	v6 =	vld [tilespmem:s14+$0x4000];
	[tilespmem:s28+$0xC000] =	vst v5;
	v5 =	vadd.f32 v2, v0;
	s28 =	smov.u32 s7;
	s7 =	simm.s32 $0x1;
	p2 =	slt.u32 s16, $0x7C0  }
.Ltmp12:
0x15b: {  	s7 =	simm.s32 @!p1 $0x0;
	v2 =	vld [tilespmem:s31+$0x4000];
	[tilespmem:s30+$0xC000] =	vst v4;
	v4 =	vadd.f32 v1, v0;
	(pc) =	sbr.rel @p2 .LBB2_27-.Ltmp12, $4  }
0x15c: {  	s6 =	sadd.s32 $0x200, s6;
	s30 =	smov.u32 s14;
	s7 =	sshll.u32 s7, $0x6;
	v1 =	vld [tilespmem:s0+$0x4000];
	[tilespmem:s2+$0xC000] =	vst v5  }
0x15d: {  	s2 =	smov.u32 s31;
	s9 =	sadd.s32 s7, s6;
	[tilespmem:s29+$0xC000] =	vst v4;
	s29 =	smov.u32 s0  }
0x15e: {  	s7 =	sor.u32 $0x200, s9;
	s14 =	sor.u32 $0x210, s9;
	s31 =	sor.u32 $0x220, s9;
	v5 =	vadd.f32 v3, v0  }
0x15f: {  	s0 =	sor.u32 $0x230, s9;
	v3 =	vld [tilespmem:s7+$0x4000];
	v4 =	vadd.f32 v6, v0  }
0x160: {  	v6 =	vld [tilespmem:s14+$0x4000]  }
0x161: {  	v7 =	vld [tilespmem:s31+$0x4000]  }
0x162: {  	[tilespmem:s28+$0xC000] =	vst v5;
	v2 =	vadd.f32 v2, v0;
	v5 =	vld [tilespmem:s0+$0x4000]  }
0x163: {  	[tilespmem:s30+$0xC000] =	vst v4;
	v1 =	vadd.f32 v1, v0  }
0x164: {  	[tilespmem:s2+$0xC000] =	vst v2;
	v2 =	vadd.f32 v3, v0  }
0x165: {  	[tilespmem:s29+$0xC000] =	vst v1;
	v1 =	vadd.f32 v6, v0  }
0x166: {  	p1 =	por $0x0, $0x0;
	s2 =	simm.s32 $0x1;
	[tilespmem:s7+$0xC000] =	vst v2;
	v2 =	vadd.f32 v7, v0  }
0x167: {  	s2 =	simm.s32 @!p1 $0x0;
	v0 =	vadd.f32 v5, v0;
	[tilespmem:s14+$0xC000] =	vst v1  }
0x168: {  	s2 =	sshll.u32 s2, $0x6;
	[tilespmem:s31+$0xC000] =	vst v2  }
0x169: {  	s7 =	sadd.s32 $0x0, s2;
	[tilespmem:s0+$0xC000] =	vst v0  }
0x16a: {  	s28 =	sor.u32 $0x280, s7;
	v0 =	vld [tilespmem:s25+$0x10280]  }
0x16b: {  	s30 =	sor.u32 $0x290, s7;
	v3 =	vld [tilespmem:s28+$0x4000]  }
0x16c: {  	s6 =	simm.s32 $0x1;
	p1 =	por !p1, !p1;
	v4 =	vld [tilespmem:s30+$0x4000]  }
0x16d: {  	s6 =	simm.s32 @!p1 $0x0;
	s2 =	sor.u32 $0x2A0, s7  }
0x16e: {  	s6 =	sshll.u32 s6, $0x6;
	s29 =	sor.u32 $0x2B0, s7;
	v2 =	vld [tilespmem:s2+$0x4000]  }
0x16f: {  	s9 =	sadd.s32 $0x200, s6;
	v1 =	vld [tilespmem:s29+$0x4000]  }
0x170: {  	s16 =	simm.s32 $0x40;
	s6 =	simm.s32 $0x200;
	s7 =	sor.u32 $0x280, s9  }
0x171: {  	s14 =	sor.u32 $0x290, s9;
	s31 =	sor.u32 $0x2A0, s9;
	s0 =	sor.u32 $0x2B0, s9;
	v5 =	vadd.f32 v3, v0;
	v3 =	vld [tilespmem:s7+$0x4000];
	v4 =	vadd.f32 v4, v0  }
.LBB2_29:
0x172: {  	s16 =	sadd.s32 $0x40, s16;
	p1 =	por !p1, !p1  }
0x173: {  	v6 =	vld [tilespmem:s14+$0x4000];
	[tilespmem:s28+$0xC000] =	vst v5;
	v5 =	vadd.f32 v2, v0;
	s28 =	smov.u32 s7;
	s7 =	simm.s32 $0x1;
	p2 =	slt.u32 s16, $0x7C0  }
.Ltmp13:
0x174: {  	s7 =	simm.s32 @!p1 $0x0;
	v2 =	vld [tilespmem:s31+$0x4000];
	[tilespmem:s30+$0xC000] =	vst v4;
	v4 =	vadd.f32 v1, v0;
	(pc) =	sbr.rel @p2 .LBB2_29-.Ltmp13, $4  }
0x175: {  	s6 =	sadd.s32 $0x200, s6;
	s30 =	smov.u32 s14;
	s7 =	sshll.u32 s7, $0x6;
	v1 =	vld [tilespmem:s0+$0x4000];
	[tilespmem:s2+$0xC000] =	vst v5  }
0x176: {  	s2 =	smov.u32 s31;
	s9 =	sadd.s32 s7, s6;
	[tilespmem:s29+$0xC000] =	vst v4;
	s29 =	smov.u32 s0  }
0x177: {  	s7 =	sor.u32 $0x280, s9;
	s14 =	sor.u32 $0x290, s9;
	s31 =	sor.u32 $0x2A0, s9;
	v5 =	vadd.f32 v3, v0  }
0x178: {  	s0 =	sor.u32 $0x2B0, s9;
	v3 =	vld [tilespmem:s7+$0x4000];
	v4 =	vadd.f32 v6, v0  }
0x179: {  	v6 =	vld [tilespmem:s14+$0x4000]  }
0x17a: {  	v7 =	vld [tilespmem:s31+$0x4000]  }
0x17b: {  	[tilespmem:s28+$0xC000] =	vst v5;
	v2 =	vadd.f32 v2, v0;
	v5 =	vld [tilespmem:s0+$0x4000]  }
0x17c: {  	[tilespmem:s30+$0xC000] =	vst v4;
	v1 =	vadd.f32 v1, v0  }
0x17d: {  	[tilespmem:s2+$0xC000] =	vst v2;
	v2 =	vadd.f32 v3, v0  }
0x17e: {  	[tilespmem:s29+$0xC000] =	vst v1;
	v1 =	vadd.f32 v6, v0  }
0x17f: {  	p1 =	por $0x0, $0x0;
	s2 =	simm.s32 $0x1;
	[tilespmem:s7+$0xC000] =	vst v2;
	v2 =	vadd.f32 v7, v0  }
0x180: {  	s2 =	simm.s32 @!p1 $0x0;
	v0 =	vadd.f32 v5, v0;
	[tilespmem:s14+$0xC000] =	vst v1  }
0x181: {  	s2 =	sshll.u32 s2, $0x6;
	[tilespmem:s31+$0xC000] =	vst v2  }
0x182: {  	s7 =	sadd.s32 $0x0, s2;
	[tilespmem:s0+$0xC000] =	vst v0  }
0x183: {  	s28 =	sor.u32 $0x300, s7;
	v0 =	vld [tilespmem:s25+$0x10300]  }
0x184: {  	s30 =	sor.u32 $0x310, s7;
	v3 =	vld [tilespmem:s28+$0x4000]  }
0x185: {  	s6 =	simm.s32 $0x1;
	p1 =	por !p1, !p1;
	v4 =	vld [tilespmem:s30+$0x4000]  }
0x186: {  	s6 =	simm.s32 @!p1 $0x0;
	s2 =	sor.u32 $0x320, s7  }
0x187: {  	s6 =	sshll.u32 s6, $0x6;
	s29 =	sor.u32 $0x330, s7;
	v2 =	vld [tilespmem:s2+$0x4000]  }
0x188: {  	s9 =	sadd.s32 $0x200, s6;
	v1 =	vld [tilespmem:s29+$0x4000]  }
0x189: {  	s16 =	simm.s32 $0x40;
	s6 =	simm.s32 $0x200;
	s7 =	sor.u32 $0x300, s9  }
0x18a: {  	s14 =	sor.u32 $0x310, s9;
	s31 =	sor.u32 $0x320, s9;
	s0 =	sor.u32 $0x330, s9;
	v5 =	vadd.f32 v3, v0;
	v3 =	vld [tilespmem:s7+$0x4000];
	v4 =	vadd.f32 v4, v0  }
.LBB2_31:
0x18b: {  	s16 =	sadd.s32 $0x40, s16;
	p1 =	por !p1, !p1  }
0x18c: {  	v6 =	vld [tilespmem:s14+$0x4000];
	[tilespmem:s28+$0xC000] =	vst v5;
	v5 =	vadd.f32 v2, v0;
	s28 =	smov.u32 s7;
	s7 =	simm.s32 $0x1;
	p2 =	slt.u32 s16, $0x7C0  }
.Ltmp14:
0x18d: {  	s7 =	simm.s32 @!p1 $0x0;
	v2 =	vld [tilespmem:s31+$0x4000];
	[tilespmem:s30+$0xC000] =	vst v4;
	v4 =	vadd.f32 v1, v0;
	(pc) =	sbr.rel @p2 .LBB2_31-.Ltmp14, $4  }
0x18e: {  	s6 =	sadd.s32 $0x200, s6;
	s30 =	smov.u32 s14;
	s7 =	sshll.u32 s7, $0x6;
	v1 =	vld [tilespmem:s0+$0x4000];
	[tilespmem:s2+$0xC000] =	vst v5  }
0x18f: {  	s2 =	smov.u32 s31;
	s9 =	sadd.s32 s7, s6;
	[tilespmem:s29+$0xC000] =	vst v4;
	s29 =	smov.u32 s0  }
0x190: {  	s7 =	sor.u32 $0x300, s9;
	s14 =	sor.u32 $0x310, s9;
	s31 =	sor.u32 $0x320, s9;
	v5 =	vadd.f32 v3, v0  }
0x191: {  	s0 =	sor.u32 $0x330, s9;
	v3 =	vld [tilespmem:s7+$0x4000];
	v4 =	vadd.f32 v6, v0  }
0x192: {  	v6 =	vld [tilespmem:s14+$0x4000]  }
0x193: {  	v7 =	vld [tilespmem:s31+$0x4000]  }
0x194: {  	[tilespmem:s28+$0xC000] =	vst v5;
	v2 =	vadd.f32 v2, v0;
	v5 =	vld [tilespmem:s0+$0x4000]  }
0x195: {  	[tilespmem:s30+$0xC000] =	vst v4;
	v1 =	vadd.f32 v1, v0  }
0x196: {  	[tilespmem:s2+$0xC000] =	vst v2;
	v2 =	vadd.f32 v3, v0  }
0x197: {  	[tilespmem:s29+$0xC000] =	vst v1;
	v1 =	vadd.f32 v6, v0  }
0x198: {  	p1 =	por $0x0, $0x0;
	s2 =	simm.s32 $0x1;
	[tilespmem:s7+$0xC000] =	vst v2;
	v2 =	vadd.f32 v7, v0  }
0x199: {  	s2 =	simm.s32 @!p1 $0x0;
	v0 =	vadd.f32 v5, v0;
	[tilespmem:s14+$0xC000] =	vst v1  }
0x19a: {  	s2 =	sshll.u32 s2, $0x6;
	[tilespmem:s31+$0xC000] =	vst v2  }
0x19b: {  	s16 =	sadd.s32 $0x0, s2;
	[tilespmem:s0+$0xC000] =	vst v0  }
0x19c: {  	s29 =	sor.u32 $0x390, s16;
	v0 =	vld [tilespmem:s25+$0x10380]  }
0x19d: {  	s25 =	sor.u32 $0x380, s16;
	v4 =	vld [tilespmem:s29+$0x4000]  }
0x19e: {  	s6 =	simm.s32 $0x1;
	p1 =	por !p1, !p1;
	v3 =	vld [tilespmem:s25+$0x4000]  }
0x19f: {  	s6 =	simm.s32 @!p1 $0x0;
	s2 =	sor.u32 $0x3A0, s16  }
0x1a0: {  	s6 =	sshll.u32 s6, $0x6;
	s28 =	sor.u32 $0x3B0, s16;
	v2 =	vld [tilespmem:s2+$0x4000]  }
0x1a1: {  	s31 =	sadd.s32 $0x200, s6;
	v1 =	vld [tilespmem:s28+$0x4000]  }
0x1a2: {  	s6 =	simm.s32 $0x200;
	s16 =	simm.s32 $0x40;
	s7 =	sor.u32 $0x380, s31  }
0x1a3: {  	s14 =	sor.u32 $0x390, s31;
	s30 =	sor.u32 $0x3A0, s31;
	s0 =	sor.u32 $0x3B0, s31;
	v4 =	vadd.f32 v4, v0;
	v5 =	vadd.f32 v3, v0;
	v3 =	vld [tilespmem:s7+$0x4000]  }
.LBB2_33:
0x1a4: {  	s16 =	sadd.s32 $0x40, s16;
	p1 =	por !p1, !p1  }
0x1a5: {  	v6 =	vld [tilespmem:s14+$0x4000];
	[tilespmem:s25+$0xC000] =	vst v5;
	v5 =	vadd.f32 v2, v0;
	s25 =	smov.u32 s7;
	s7 =	simm.s32 $0x1;
	p2 =	slt.u32 s16, $0x7C0  }
.Ltmp15:
0x1a6: {  	s7 =	simm.s32 @!p1 $0x0;
	v2 =	vld [tilespmem:s30+$0x4000];
	[tilespmem:s29+$0xC000] =	vst v4;
	v4 =	vadd.f32 v1, v0;
	(pc) =	sbr.rel @p2 .LBB2_33-.Ltmp15, $4  }
0x1a7: {  	s6 =	sadd.s32 $0x200, s6;
	s29 =	smov.u32 s14;
	s7 =	sshll.u32 s7, $0x6;
	v1 =	vld [tilespmem:s0+$0x4000];
	[tilespmem:s2+$0xC000] =	vst v5  }
0x1a8: {  	s2 =	smov.u32 s30;
	s9 =	sadd.s32 s7, s6;
	[tilespmem:s28+$0xC000] =	vst v4;
	s28 =	smov.u32 s0  }
0x1a9: {  	s7 =	sor.u32 $0x380, s9;
	s14 =	sor.u32 $0x390, s9;
	s30 =	sor.u32 $0x3A0, s9;
	v5 =	vadd.f32 v3, v0  }
0x1aa: {  	s0 =	sor.u32 $0x3B0, s9;
	v3 =	vld [tilespmem:s7+$0x4000];
	v4 =	vadd.f32 v6, v0  }
0x1ab: {  	v6 =	vld [tilespmem:s14+$0x4000]  }
0x1ac: {  	v7 =	vld [tilespmem:s30+$0x4000]  }
0x1ad: {  	[tilespmem:s25+$0xC000] =	vst v5;
	v2 =	vadd.f32 v2, v0;
	v59 =	vld [tilespmem:s0+$0x4000]  }
0x1ae: {  	[tilespmem:s29+$0xC000] =	vst v4;
	v1 =	vadd.f32 v1, v0  }
0x1af: {  	[tilespmem:s2+$0xC000] =	vst v2;
	v60 =	vadd.f32 v3, v0  }
0x1b0: {  	[tilespmem:s28+$0xC000] =	vst v1;
	v61 =	vadd.f32 v6, v0  }
0x1b1: {  	s2 =	sadd.s32 @!p0 s24, s11;
	v62 =	vadd.f32 v7, v0;
	[tilespmem:s7+$0xC000] =	vst v60  }
0x1b2: {  	s2 =	sshll.u32 @!p0 s2, $0xC;
	v63 =	vadd.f32 v59, v0;
	[tilespmem:s14+$0xC000] =	vst v61  }
0x1b3: {  	s6 =	simm.s32 @!p0 $0x4000;
	s2 =	sand.u32 @!p0 $0x1FFFF000, s2;
	[tilespmem:s30+$0xC000] =	vst v62  }
0x1b4: {  	s24 =	sadd.s32 $0x1, s24;
	[tilespmem:s0+$0xC000] =	vst v63;
	s0 =	sadd.s32 @!p0 s2, s8;
	s2 =	simm.s32 @!p0 $0x0  }
0x1b5: {  	[tilespmem:s6], [sflag:$0x2] =	stream.linear.gather @!p0 [hbm4b:s0+s2], $0x4000, $0x38;
	[tilespmem:$0x1C800] =	vst v63  }
0x1b6: {  	p0 =	sne.s32 s24, $0x32  }
.Ltmp16:
0x1b7: {  	_ = 	snop;
	(pc) =	sbr.rel @p0 .LBB2_2-.Ltmp16, $3  }
0x1b8: {  	_ =	sdelay $0x1  }
0x1b9: {  	s31 =	sadd.s32 s26, s12  }
0x1ba: {  	[hbm4b:s31+s4] =	stream.linear.scatter [tilespmem:s20], [sflag:$0x4], $0x4000, $0x38;
	[tilespmem:$0x1C800] =	vst v63  }
0x1bb: {  	s23 =	sadd.s32 $0x1, s23  }
0x1bc: {  	_ =	swait.ge [sflag:s21], $0x4000;
	p0 =	sne.s32 s23, s13  }
.Ltmp17:
0x1bd: {  	[sflag:s21] =	ssyncset.done $0x0;
	(pc) =	sbr.rel @p0 .LBB2_1-.Ltmp17, $4  }
0x1be: {  	[sflag:s21] =	ssyncadd.s32 $0xFFFFC000  }
0x1bf: {  	_ =	swait.ge [sflag:s22], $0x4000  }
0x1c0: {  	[sflag:s22] =	ssyncset.done $0x0  }
0x1c1: {  	[sflag:s22] =	ssyncadd.s32 $0xFFFFC000  }
0x1c2: {  	_ =	sfence.sel $0x180000  }
0x1c3: {  	[bflag:$0x0] =	sbarrier.arrive $0xFFFF  }
0x1c4: {  	_ =	strace $0x90000047  }
0x1c5: {  	s0 =	stileid.u32;
	[bflag:$0x2] =	sbarrier.arrive $0xFFFF  }
0x1c6: {  	p0 =	sne.s32 s0, $0x0;
	s0 =	rddreg [dreg:$0x3]  }
0x1c7: {  	s0 =	sadd.s32 @!p0 $0x100000, s0  }
0x1c8: {  	[sflag:s0] =	ssyncadd.tile.s32 @!p0 $0x1;
	_ =	shalt  }
.Lfunc_end2:
_tile_overlayer_lowered:
.L_overlay_start_2:
0x1c9: {  	(tag) =	ssettag $0x2  }
0x1ca: {  	s0 =	rddreg [dreg:$0x0];
	s2 =	stileid.u32  }
0x1cb: {  	s1 =	rddreg [dreg:$0x1];
	p0 =	sne.s32 s2, $0x0  }
0x1cc: {  	s3 =	rddreg [dreg:$0x2];
	[bflag:$0x3] =	sbarrier.arrive $0xFFFF;
	s2 =	simm.s32 @!p0 $0x1C05  }
0x1cd: {  	[timem:s3], [sflag:s2] =	dma.local @!p0 [hbm:s0], s1  }
0x1ce: {  	s0 =	simm.s32 @!p0 $0x5  }
0x1cf: {  	_ =	swait.ge @!p0 [sflag:s0], s1  }
0x1d0: {  	s1 =	ssub.s32 @!p0 $0x0, s1;
	[sflag:s0] =	ssyncset.done @!p0 $0x0  }
0x1d1: {  	[sflag:s0] =	ssyncadd.s32 @!p0 s1  }
0x1d2: {  	[bflag:$0x3] =	sbarrier.arrive $0xFFFF  }
0x1d3: {  	_ =	shalt  }

</sc_bundles>
